<compile_context>
chip_gen: v7x
topology: tpu7x:2x2x1
jax: 0.10.2.dev20260603
libtpu: 0.0.44.dev20260713+nightly
codegen_flags: <defaults>
</compile_context>

<pallas_src>
import jax
import jax.numpy as jnp
from jax.experimental import pallas as pl
from jax.experimental.pallas import tpu as pltpu
from jax.experimental.pallas import tpu_sc as plsc

_WIN = 128
_BLK = 512


def _sc_gather(idx, W, N, D):
    mesh = plsc.VectorSubcoreMesh(core_axis_name="core",
                                  subcore_axis_name="subcore")

    @pl.kernel(out_type=jax.ShapeDtypeStruct((N, D), W.dtype), mesh=mesh,
               compiler_params=pltpu.CompilerParams(use_tc_tiling_on_sc=False),
               scratch_types=[pltpu.SemaphoreType.DMA])
    def gather_kernel(w_hbm, i_hbm, o_hbm, sem):
        def body(i_vmem, o_vmem):
            copies = [
                pltpu.async_copy(
                    w_hbm.at[i_vmem.at[0, pl.ds(j * _WIN, _WIN)]],
                    o_vmem.at[pl.ds(j * _WIN, _WIN)],
                    sem,
                )
                for j in range(_BLK // _WIN)
            ]
            for c in copies:
                c.wait()

        pltpu.emit_pipeline(
            body,
            grid=(N // _BLK,),
            in_specs=[pl.BlockSpec((1, _BLK), index_map=lambda i: (0, i))],
            out_specs=[pl.BlockSpec((_BLK, D), index_map=lambda i: (i, 0))],
            core_axis_name=("core", "subcore"),
            dimension_semantics=(pltpu.PARALLEL,),
        )(i_hbm, o_hbm)

    return gather_kernel(W, idx)


def _tc_transpose(mid2d, H, B, D):
    def body(in_ref, out_ref):
        blk = in_ref[...]
        out_ref[0] = jnp.concatenate([blk[:, :D].T, blk[:, D:].T], axis=1)

    return pl.pallas_call(
        body,
        grid=(H,),
        in_specs=[pl.BlockSpec((B // 2, 128), lambda g: (g, 0))],
        out_specs=pl.BlockSpec((1, D, B), lambda g: (g, 0, 0)),
        out_shape=jax.ShapeDtypeStruct((H, D, B), jnp.float32),
    )(mid2d)


def kernel(x, W):
    B, H = x.shape
    V, D = W.shape
    N = B * H

    xt = jnp.transpose(x)
    xperm = jnp.transpose(xt.reshape(H, 2, B // 2), (0, 2, 1))
    idx = xperm.reshape(1, N)

    mid = _sc_gather(idx, W, N, D)
    mid2d = mid.reshape(N * D // 128, 128)
    out3 = _tc_transpose(mid2d, H, B, D)
    return jnp.transpose(out3, (2, 0, 1))

# --- scband reference (transcript-rebuilt; emitter-appended) ---
"""Pipeline reference for scband-embedding-16329465659558 (READ-ONLY COPY).

The authoritative reference and input builder live on the scoring server;
editing this copy changes nothing except your own understanding.
"""

import jax, jax.numpy as jnp
import numpy as np

VOCAB = 1000000
D_MODEL = 64
BATCH = 16384
HIST = 50

def setup_inputs(seed: int = 0) -> dict:
    key = jax.random.key(seed)
    k1, k2 = jax.random.split(key)
    x = jax.random.randint(k1, (BATCH, HIST), 0, VOCAB, dtype=jnp.int64 if jax.config.jax_enable_x64 else jnp.int32)
    W = jax.random.normal(k2, (VOCAB, D_MODEL), dtype=jnp.float32)
    return {"x": x, "W": W}

def reference(x, W):
    # Embedding lookup: W[x] -> gather rows of the table
    return jnp.take(W, x, axis=0)

if __name__ == "__main__":
    import jax
    _d = setup_inputs()
    print(jax.jit(kernel)(*tuple(_d.values())))

</pallas_src>

<mosaic_0001>
#map = affine_map<(d0, d1) -> (0, 0)>
module attributes {stable_mosaic.version = 14 : i64} {
  func.func @gather_kernel(%arg0: i32, %arg1: i32, %arg2: memref<1000000x64xf32, #tpu.memory_space<hbm>>, %arg3: memref<1x819200xi32, #tpu.memory_space<hbm>>, %arg4: memref<819200x64xf32, #tpu.memory_space<hbm>>, %arg5: memref<!tpu.dma_semaphore, #tpu.memory_space<semaphore_mem>>) attributes {dimension_semantics = [#tpu.dimension_semantics<core_parallel>, #tpu.dimension_semantics<subcore_parallel>], iteration_bounds = array<i64: 2, 16>, scalar_prefetch = 0 : i64, scratch_operands = 1 : i64, tpu.core_type = #tpu.core_type<sc_vector_subcore>, window_params = [{transform_indices = #map}, {transform_indices = #map}, {transform_indices = #map}]} {
    %mul3A = arith.constant 1 : i32
    %mul3A_0 = arith.muli %arg1, %mul3A : i32
    %add3A = arith.constant 0 : i32
    %add3A_1 = arith.addi %add3A, %mul3A_0 : i32
    %mul3A_2 = arith.constant 16 : i32
    %mul3A_3 = arith.muli %arg0, %mul3A_2 : i32
    %add3A_4 = arith.addi %add3A_1, %mul3A_3 : i32
    %mul3A_5 = arith.constant 50 : i32
    %mul3A_6 = arith.muli %add3A_4, %mul3A_5 : i32
    "tpu.region"() ({
      %run_scoped3A = memref.alloca() : memref<2x1x512xi32, #tpu.memory_space<vmem>>
      %run_scoped3A_7 = tpu.sem_alloc : memref<2x!tpu.dma_semaphore, #tpu.memory_space<semaphore_mem>>
      %run_scoped3A_8 = memref.alloca() : memref<2x512x64xf32, #tpu.memory_space<vmem>>
      %run_scoped3A_9 = tpu.sem_alloc : memref<2x!tpu.dma_semaphore, #tpu.memory_space<semaphore_mem>>
      %add3A_10 = arith.constant 0 : i32
      %add3A_11 = arith.addi %add3A_10, %mul3A_6 : i32
      %select_n3A = arith.constant true
      %select_n3A_12 = arith.constant 0 : i32
      %select_n3A_13 = arith.constant -1 : i32
      %select_n3A_14 = arith.select %select_n3A, %select_n3A_13, %select_n3A_12 : i32
      %eq3A = arith.constant -1 : i32
      %eq3A_15 = arith.cmpi eq, %select_n3A_14, %eq3A : i32
      %select_n3A_16 = arith.constant 49 : i32
      %select_n3A_17 = arith.select %eq3A_15, %select_n3A_16, %select_n3A_14 : i32
      %add3A_18 = arith.addi %select_n3A_17, %mul3A_6 : i32
      %select_n3A_19 = arith.constant true
      %select_n3A_20 = arith.constant 0 : i32
      %select_n3A_21 = arith.constant 1 : i32
      %select_n3A_22 = arith.select %select_n3A_19, %select_n3A_21, %select_n3A_20 : i32
      %eq3A_23 = arith.constant 50 : i32
      %eq3A_24 = arith.cmpi eq, %select_n3A_22, %eq3A_23 : i32
      %select_n3A_25 = arith.constant 0 : i32
      %select_n3A_26 = arith.select %eq3A_24, %select_n3A_25, %select_n3A_22 : i32
      %add3A_27 = arith.addi %select_n3A_26, %mul3A_6 : i32
      %add3A_28 = arith.constant 1 : i32
      %add3A_29 = arith.addi %select_n3A_26, %add3A_28 : i32
      %select_n3A_30 = arith.constant true
      %select_n3A_31 = arith.select %select_n3A_30, %add3A_29, %select_n3A_26 : i32
      %eq3A_32 = arith.constant 50 : i32
      %eq3A_33 = arith.cmpi eq, %select_n3A_31, %eq3A_32 : i32
      %select_n3A_34 = arith.constant 0 : i32
      %select_n3A_35 = arith.select %eq3A_33, %select_n3A_34, %select_n3A_31 : i32
      %add3A_36 = arith.addi %select_n3A_35, %mul3A_6 : i32
      "tpu.trace_start"() <{level = 10 : i32, message = "ep_initialize_0"}> : () -> ()
      %rem3A = arith.constant 0 : i32
      %rem3A_37 = arith.constant 2 : i32
      %rem3A_38 = arith.remui %rem3A, %rem3A_37 : i32
      %mul3A_39 = arith.constant 512 : i32
      %mul3A_40 = arith.muli %mul3A_39, %add3A_11 : i32
      %dma_start3A = arith.constant 0 : i32
      %dma_start3A_41 = arith.constant 0 : i32
      %dma_start3A_42 = tpu.memref_slice %run_scoped3A[%rem3A_38, %dma_start3A, %dma_start3A_41] : memref<2x1x512xi32, #tpu.memory_space<vmem>> -> memref<1x1x512xi32, #tpu.memory_space<vmem>>
      %dma_start3A_43 = tpu.memref_squeeze %dma_start3A_42 : memref<1x1x512xi32, #tpu.memory_space<vmem>> -> memref<1x512xi32, #tpu.memory_space<vmem>>
      %dma_start3A_44 = arith.constant 0 : i32
      %dma_start3A_45 = tpu.memref_slice %arg3[%dma_start3A_44, %mul3A_40] : memref<1x819200xi32, #tpu.memory_space<hbm>> -> memref<1x512xi32, #tpu.memory_space<hbm>>
      %dma_start3A_46 = tpu.memref_slice %run_scoped3A_7[%rem3A_38] : memref<2x!tpu.dma_semaphore, #tpu.memory_space<semaphore_mem>> -> memref<1x!tpu.dma_semaphore, #tpu.memory_space<semaphore_mem>>
      %dma_start3A_47 = tpu.memref_squeeze %dma_start3A_46 : memref<1x!tpu.dma_semaphore, #tpu.memory_space<semaphore_mem>> -> memref<!tpu.dma_semaphore, #tpu.memory_space<semaphore_mem>>
      %dma_start3A_48 = arith.constant 0 : i32
      %dma_start3A_49 = arith.constant 0 : i32
      %dma_start3A_50 = tpu.memref_slice %run_scoped3A[%rem3A_38, %dma_start3A_48, %dma_start3A_49] : memref<2x1x512xi32, #tpu.memory_space<vmem>> -> memref<1x1x512xi32, #tpu.memory_space<vmem>>
      %dma_start3A_51 = tpu.memref_squeeze %dma_start3A_50 : memref<1x1x512xi32, #tpu.memory_space<vmem>> -> memref<1x512xi32, #tpu.memory_space<vmem>>
      %dma_start3A_52 = arith.constant 0 : i32
      %dma_start3A_53 = tpu.memref_slice %arg3[%dma_start3A_52, %mul3A_40] : memref<1x819200xi32, #tpu.memory_space<hbm>> -> memref<1x512xi32, #tpu.memory_space<hbm>>
      tpu.enqueue_dma source(%dma_start3A_53 : memref<1x512xi32, #tpu.memory_space<hbm>>) target(%dma_start3A_51 : memref<1x512xi32, #tpu.memory_space<vmem>>) target_semaphore(%dma_start3A_47 : memref<!tpu.dma_semaphore, #tpu.memory_space<semaphore_mem>>)
      %add3A_54 = arith.constant 0 : i32
      %add3A_55 = arith.constant 1 : i32
      %add3A_56 = arith.addi %add3A_54, %add3A_55 : i32
      %select_n3A_57 = arith.constant true
      %select_n3A_58 = arith.constant 0 : i32
      %select_n3A_59 = arith.select %select_n3A_57, %add3A_56, %select_n3A_58 : i32
      "tpu.trace_stop"() : () -> ()
      %scan3A = arith.constant 0 : i32
      %scan3A_60 = arith.constant 0 : i32
      %scan3A_61 = arith.constant 0 : i32
      %scan3A_62 = arith.constant 0 : i32
      %scan3A_63 = arith.constant 0 : i32
      %scan3A_64 = arith.constant 50 : i32
      %scan3A_65 = arith.addi %scan3A_63, %scan3A_64 : i32
      %scan3A_66 = arith.constant 1 : i32
      %scan3A_67:5 = scf.for %scan3A_121 = %scan3A_63 to %scan3A_65 step %scan3A_66 iter_args(%scan3A_122 = %select_n3A_59, %scan3A_123 = %scan3A, %scan3A_124 = %scan3A_60, %scan3A_125 = %scan3A_61, %scan3A_126 = %scan3A_62) -> (i32, i32, i32, i32, i32)  : i32 {
        %eq3A_127 = arith.constant 0 : i32
        %eq3A_128 = arith.cmpi eq, %scan3A_121, %eq3A_127 : i32
        %eq3A_129 = arith.constant 49 : i32
        %eq3A_130 = arith.cmpi eq, %scan3A_121, %eq3A_129 : i32
        %add3A_131 = arith.addi %scan3A_126, %mul3A_6 : i32
        %sub3A_132 = arith.constant 1 : i32
        %sub3A_133 = arith.subi %scan3A_126, %sub3A_132 : i32
        %select_n3A_134 = arith.constant true
        %select_n3A_135 = arith.select %select_n3A_134, %sub3A_133, %scan3A_126 : i32
        %eq3A_136 = arith.constant -1 : i32
        %eq3A_137 = arith.cmpi eq, %select_n3A_135, %eq3A_136 : i32
        %select_n3A_138 = arith.constant 49 : i32
        %select_n3A_139 = arith.select %eq3A_137, %select_n3A_138, %select_n3A_135 : i32
        %add3A_140 = arith.addi %select_n3A_139, %mul3A_6 : i32
        %add3A_141 = arith.constant 1 : i32
        %add3A_142 = arith.addi %scan3A_126, %add3A_141 : i32
        %select_n3A_143 = arith.constant true
        %select_n3A_144 = arith.select %select_n3A_143, %add3A_142, %scan3A_126 : i32
        %eq3A_145 = arith.constant 50 : i32
        %eq3A_146 = arith.cmpi eq, %select_n3A_144, %eq3A_145 : i32
        %select_n3A_147 = arith.constant 0 : i32
        %select_n3A_148 = arith.select %eq3A_146, %select_n3A_147, %select_n3A_144 : i32
        %add3A_149 = arith.addi %select_n3A_148, %mul3A_6 : i32
        %add3A_150 = arith.constant 1 : i32
        %add3A_151 = arith.addi %select_n3A_148, %add3A_150 : i32
        %select_n3A_152 = arith.constant true
        %select_n3A_153 = arith.select %select_n3A_152, %add3A_151, %select_n3A_148 : i32
        %eq3A_154 = arith.constant 50 : i32
        %eq3A_155 = arith.cmpi eq, %select_n3A_153, %eq3A_154 : i32
        %select_n3A_156 = arith.constant 0 : i32
        %select_n3A_157 = arith.select %eq3A_155, %select_n3A_156, %select_n3A_153 : i32
        %add3A_158 = arith.addi %select_n3A_157, %mul3A_6 : i32
        %ne3A = arith.cmpi ne, %add3A_131, %add3A_149 : i32
        %or3A = arith.constant false
        %or3A_159 = arith.ori %or3A, %ne3A : i1
        %ge3A = arith.constant 49 : i32
        %ge3A_160 = arith.cmpi sge, %scan3A_121, %ge3A : i32
        %not3A = arith.constant true
        %not3A_161 = arith.xori %ge3A_160, %not3A : i1
        %and3A = arith.andi %or3A_159, %not3A_161 : i1
        %convert_element_type3A = arith.extui %and3A : i1 to i32
        %cond3A = arith.constant 0 : i32
        %cond3A_162 = arith.cmpi ne, %convert_element_type3A, %cond3A : i32
        scf.if %cond3A_162 {
          "tpu.trace_start"() <{level = 10 : i32, message = "ep_copy_in"}> : () -> ()
          %rem3A_407 = arith.constant 2 : i32
          %rem3A_408 = arith.remui %scan3A_122, %rem3A_407 : i32
          %mul3A_409 = arith.constant 512 : i32
          %mul3A_410 = arith.muli %mul3A_409, %add3A_149 : i32
          %dma_start3A_411 = arith.constant 0 : i32
          %dma_start3A_412 = arith.constant 0 : i32
          %dma_start3A_413 = tpu.memref_slice %run_scoped3A[%rem3A_408, %dma_start3A_411, %dma_start3A_412] : memref<2x1x512xi32, #tpu.memory_space<vmem>> -> memref<1x1x512xi32, #tpu.memory_space<vmem>>
          %dma_start3A_414 = tpu.memref_squeeze %dma_start3A_413 : memref<1x1x512xi32, #tpu.memory_space<vmem>> -> memref<1x512xi32, #tpu.memory_space<vmem>>
          %dma_start3A_415 = arith.constant 0 : i32
          %dma_start3A_416 = tpu.memref_slice %arg3[%dma_start3A_415, %mul3A_410] : memref<1x819200xi32, #tpu.memory_space<hbm>> -> memref<1x512xi32, #tpu.memory_space<hbm>>
          %dma_start3A_417 = tpu.memref_slice %run_scoped3A_7[%rem3A_408] : memref<2x!tpu.dma_semaphore, #tpu.memory_space<semaphore_mem>> -> memref<1x!tpu.dma_semaphore, #tpu.memory_space<semaphore_mem>>
          %dma_start3A_418 = tpu.memref_squeeze %dma_start3A_417 : memref<1x!tpu.dma_semaphore, #tpu.memory_space<semaphore_mem>> -> memref<!tpu.dma_semaphore, #tpu.memory_space<semaphore_mem>>
          %dma_start3A_419 = arith.constant 0 : i32
          %dma_start3A_420 = arith.constant 0 : i32
          %dma_start3A_421 = tpu.memref_slice %run_scoped3A[%rem3A_408, %dma_start3A_419, %dma_start3A_420] : memref<2x1x512xi32, #tpu.memory_space<vmem>> -> memref<1x1x512xi32, #tpu.memory_space<vmem>>
          %dma_start3A_422 = tpu.memref_squeeze %dma_start3A_421 : memref<1x1x512xi32, #tpu.memory_space<vmem>> -> memref<1x512xi32, #tpu.memory_space<vmem>>
          %dma_start3A_423 = arith.constant 0 : i32
          %dma_start3A_424 = tpu.memref_slice %arg3[%dma_start3A_423, %mul3A_410] : memref<1x819200xi32, #tpu.memory_space<hbm>> -> memref<1x512xi32, #tpu.memory_space<hbm>>
          tpu.enqueue_dma source(%dma_start3A_424 : memref<1x512xi32, #tpu.memory_space<hbm>>) target(%dma_start3A_422 : memref<1x512xi32, #tpu.memory_space<vmem>>) target_semaphore(%dma_start3A_418 : memref<!tpu.dma_semaphore, #tpu.memory_space<semaphore_mem>>)
          "tpu.trace_stop"() : () -> ()
        } else {
        }
        %and3A_163 = arith.constant true
        %and3A_164 = arith.andi %and3A, %and3A_163 : i1
        %add3A_165 = arith.constant 1 : i32
        %add3A_166 = arith.addi %scan3A_122, %add3A_165 : i32
        %select_n3A_167 = arith.select %and3A_164, %add3A_166, %scan3A_122 : i32
        %ne3A_168 = arith.cmpi ne, %add3A_131, %add3A_149 : i32
        %or3A_169 = arith.constant false
        %or3A_170 = arith.ori %or3A_169, %ne3A_168 : i1
        %or3A_171 = arith.constant false
        %or3A_172 = arith.ori %or3A_170, %or3A_171 : i1
        %ge3A_173 = arith.constant 49 : i32
        %ge3A_174 = arith.cmpi sge, %scan3A_121, %ge3A_173 : i32
        %not3A_175 = arith.constant true
        %not3A_176 = arith.xori %ge3A_174, %not3A_175 : i1
        %and3A_177 = arith.andi %or3A_172, %not3A_176 : i1
        %ne3A_178 = arith.cmpi ne, %add3A_131, %add3A_140 : i32
        %or3A_179 = arith.constant false
        %or3A_180 = arith.ori %or3A_179, %ne3A_178 : i1
        %or3A_181 = arith.ori %or3A_180, %eq3A_128 : i1
        %convert_element_type3A_182 = arith.extui %or3A_181 : i1 to i32
        %cond3A_183 = arith.constant 0 : i32
        %cond3A_184 = arith.cmpi ne, %convert_element_type3A_182, %cond3A_183 : i32
        scf.if %cond3A_184 {
          "tpu.trace_start"() <{level = 10 : i32, message = "ep_wait_in"}> : () -> ()
          %mul3A_407 = arith.constant 512 : i32
          %mul3A_408 = arith.muli %mul3A_407, %add3A_131 : i32
          %rem3A_409 = arith.constant 2 : i32
          %rem3A_410 = arith.remui %scan3A_123, %rem3A_409 : i32
          %dma_wait3A_411 = arith.constant 0 : i32
          %dma_wait3A_412 = arith.constant 0 : i32
          %dma_wait3A_413 = tpu.memref_slice %run_scoped3A[%rem3A_410, %dma_wait3A_411, %dma_wait3A_412] : memref<2x1x512xi32, #tpu.memory_space<vmem>> -> memref<1x1x512xi32, #tpu.memory_space<vmem>>
          %dma_wait3A_414 = tpu.memref_squeeze %dma_wait3A_413 : memref<1x1x512xi32, #tpu.memory_space<vmem>> -> memref<1x512xi32, #tpu.memory_space<vmem>>
          %dma_wait3A_415 = arith.constant 0 : i32
          %dma_wait3A_416 = tpu.memref_slice %arg3[%dma_wait3A_415, %mul3A_408] : memref<1x819200xi32, #tpu.memory_space<hbm>> -> memref<1x512xi32, #tpu.memory_space<hbm>>
          %dma_wait3A_417 = tpu.memref_slice %run_scoped3A_7[%rem3A_410] : memref<2x!tpu.dma_semaphore, #tpu.memory_space<semaphore_mem>> -> memref<1x!tpu.dma_semaphore, #tpu.memory_space<semaphore_mem>>
          %dma_wait3A_418 = tpu.memref_squeeze %dma_wait3A_417 : memref<1x!tpu.dma_semaphore, #tpu.memory_space<semaphore_mem>> -> memref<!tpu.dma_semaphore, #tpu.memory_space<semaphore_mem>>
          %dma_wait3A_419 = arith.constant 0 : i32
          %dma_wait3A_420 = arith.constant 0 : i32
          %dma_wait3A_421 = tpu.memref_slice %run_scoped3A[%rem3A_410, %dma_wait3A_419, %dma_wait3A_420] : memref<2x1x512xi32, #tpu.memory_space<vmem>> -> memref<1x1x512xi32, #tpu.memory_space<vmem>>
          %dma_wait3A_422 = tpu.memref_squeeze %dma_wait3A_421 : memref<1x1x512xi32, #tpu.memory_space<vmem>> -> memref<1x512xi32, #tpu.memory_space<vmem>>
          %dma_wait3A_423 = arith.constant 0 : i32
          %dma_wait3A_424 = tpu.memref_slice %arg3[%dma_wait3A_423, %mul3A_408] : memref<1x819200xi32, #tpu.memory_space<hbm>> -> memref<1x512xi32, #tpu.memory_space<hbm>>
          tpu.wait_dma2 semaphore(%dma_wait3A_418 : memref<!tpu.dma_semaphore, #tpu.memory_space<semaphore_mem>>) src(%dma_wait3A_424 : memref<1x512xi32, #tpu.memory_space<hbm>>) dst(%dma_wait3A_422 : memref<1x512xi32, #tpu.memory_space<vmem>>)
          "tpu.trace_stop"() : () -> ()
        } else {
        }
        %ne3A_185 = arith.cmpi ne, %add3A_131, %add3A_140 : i32
        %or3A_186 = arith.constant false
        %or3A_187 = arith.ori %or3A_186, %ne3A_185 : i1
        %or3A_188 = arith.constant false
        %or3A_189 = arith.ori %or3A_187, %or3A_188 : i1
        %or3A_190 = arith.ori %or3A_189, %eq3A_128 : i1
        %convert_element_type3A_191 = arith.extui %or3A_190 : i1 to i32
        %cond3A_192 = arith.constant 0 : i32
        %cond3A_193 = arith.cmpi ne, %convert_element_type3A_191, %cond3A_192 : i32
        scf.if %cond3A_193 {
        } else {
        }
        %rem3A_194 = arith.constant 2 : i32
        %rem3A_195 = arith.remui %scan3A_123, %rem3A_194 : i32
        %rem3A_196 = arith.constant 2 : i32
        %rem3A_197 = arith.remui %scan3A_124, %rem3A_196 : i32
        %dma_start3A_198 = arith.constant 0 : i32
        "tpu.trace_start"() <{level = 10 : i32, message = "ep_run_kernel"}> : () -> ()
        %dma_start3A_199 = arith.constant 0 : i32
        %dma_start3A_200 = arith.constant 0 : i32
        %dma_start3A_201 = tpu.memref_slice %run_scoped3A_8[%rem3A_197, %dma_start3A_199, %dma_start3A_200] : memref<2x512x64xf32, #tpu.memory_space<vmem>> -> memref<1x512x64xf32, #tpu.memory_space<vmem>>
        %dma_start3A_202 = tpu.memref_squeeze %dma_start3A_201 : memref<1x512x64xf32, #tpu.memory_space<vmem>> -> memref<512x64xf32, #tpu.memory_space<vmem>>
        %dma_start3A_203 = arith.constant 0 : i32
        %dma_start3A_204 = arith.constant 0 : i32
        %dma_start3A_205 = tpu.memref_slice %dma_start3A_202[%dma_start3A_203, %dma_start3A_204] : memref<512x64xf32, #tpu.memory_space<vmem>> -> memref<128x64xf32, #tpu.memory_space<vmem>>
        %dma_start3A_206 = arith.constant 0 : i32
        %dma_start3A_207 = arith.constant 0 : i32
        %dma_start3A_208 = tpu.memref_slice %run_scoped3A[%rem3A_195, %dma_start3A_206, %dma_start3A_207] : memref<2x1x512xi32, #tpu.memory_space<vmem>> -> memref<1x1x512xi32, #tpu.memory_space<vmem>>
        %dma_start3A_209 = tpu.memref_squeeze %dma_start3A_208 : memref<1x1x512xi32, #tpu.memory_space<vmem>> -> memref<1x512xi32, #tpu.memory_space<vmem>>
        %dma_start3A_210 = arith.constant 0 : i32
        %dma_start3A_211 = tpu.memref_slice %dma_start3A_209[%dma_start3A_198, %dma_start3A_210] : memref<1x512xi32, #tpu.memory_space<vmem>> -> memref<1x128xi32, #tpu.memory_space<vmem>>
        %dma_start3A_212 = tpu.memref_squeeze %dma_start3A_211 : memref<1x128xi32, #tpu.memory_space<vmem>> -> memref<128xi32, #tpu.memory_space<vmem>>
        %dma_start3A_213 = arith.constant 0 : i32
        %dma_start3A_214 = arith.constant 0 : i32
        %dma_start3A_215 = tpu.memref_slice %arg2[%dma_start3A_213, %dma_start3A_214] : memref<1000000x64xf32, #tpu.memory_space<hbm>> -> memref<1000000x64xf32, #tpu.memory_space<hbm>>
        tpu.enqueue_indirect_dma source(%dma_start3A_215 : memref<1000000x64xf32, #tpu.memory_space<hbm>>) target(%dma_start3A_205 : memref<128x64xf32, #tpu.memory_space<vmem>>) offsets(%dma_start3A_212 : memref<128xi32, #tpu.memory_space<vmem>>) semaphore(%arg5 : memref<!tpu.dma_semaphore, #tpu.memory_space<semaphore_mem>>)
        %dma_start3A_216 = arith.constant 0 : i32
        %dma_start3A_217 = arith.constant 0 : i32
        %dma_start3A_218 = arith.constant 0 : i32
        %dma_start3A_219 = tpu.memref_slice %run_scoped3A_8[%rem3A_197, %dma_start3A_217, %dma_start3A_218] : memref<2x512x64xf32, #tpu.memory_space<vmem>> -> memref<1x512x64xf32, #tpu.memory_space<vmem>>
        %dma_start3A_220 = tpu.memref_squeeze %dma_start3A_219 : memref<1x512x64xf32, #tpu.memory_space<vmem>> -> memref<512x64xf32, #tpu.memory_space<vmem>>
        %dma_start3A_221 = arith.constant 128 : i32
        %dma_start3A_222 = arith.constant 0 : i32
        %dma_start3A_223 = tpu.memref_slice %dma_start3A_220[%dma_start3A_221, %dma_start3A_222] : memref<512x64xf32, #tpu.memory_space<vmem>> -> memref<128x64xf32, #tpu.memory_space<vmem>>
        %dma_start3A_224 = arith.constant 0 : i32
        %dma_start3A_225 = arith.constant 0 : i32
        %dma_start3A_226 = tpu.memref_slice %run_scoped3A[%rem3A_195, %dma_start3A_224, %dma_start3A_225] : memref<2x1x512xi32, #tpu.memory_space<vmem>> -> memref<1x1x512xi32, #tpu.memory_space<vmem>>
        %dma_start3A_227 = tpu.memref_squeeze %dma_start3A_226 : memref<1x1x512xi32, #tpu.memory_space<vmem>> -> memref<1x512xi32, #tpu.memory_space<vmem>>
        %dma_start3A_228 = arith.constant 128 : i32
        %dma_start3A_229 = tpu.memref_slice %dma_start3A_227[%dma_start3A_216, %dma_start3A_228] : memref<1x512xi32, #tpu.memory_space<vmem>> -> memref<1x128xi32, #tpu.memory_space<vmem>>
        %dma_start3A_230 = tpu.memref_squeeze %dma_start3A_229 : memref<1x128xi32, #tpu.memory_space<vmem>> -> memref<128xi32, #tpu.memory_space<vmem>>
        %dma_start3A_231 = arith.constant 0 : i32
        %dma_start3A_232 = arith.constant 0 : i32
        %dma_start3A_233 = tpu.memref_slice %arg2[%dma_start3A_231, %dma_start3A_232] : memref<1000000x64xf32, #tpu.memory_space<hbm>> -> memref<1000000x64xf32, #tpu.memory_space<hbm>>
        tpu.enqueue_indirect_dma source(%dma_start3A_233 : memref<1000000x64xf32, #tpu.memory_space<hbm>>) target(%dma_start3A_223 : memref<128x64xf32, #tpu.memory_space<vmem>>) offsets(%dma_start3A_230 : memref<128xi32, #tpu.memory_space<vmem>>) semaphore(%arg5 : memref<!tpu.dma_semaphore, #tpu.memory_space<semaphore_mem>>)
        %dma_start3A_234 = arith.constant 0 : i32
        %dma_start3A_235 = arith.constant 0 : i32
        %dma_start3A_236 = arith.constant 0 : i32
        %dma_start3A_237 = tpu.memref_slice %run_scoped3A_8[%rem3A_197, %dma_start3A_235, %dma_start3A_236] : memref<2x512x64xf32, #tpu.memory_space<vmem>> -> memref<1x512x64xf32, #tpu.memory_space<vmem>>
        %dma_start3A_238 = tpu.memref_squeeze %dma_start3A_237 : memref<1x512x64xf32, #tpu.memory_space<vmem>> -> memref<512x64xf32, #tpu.memory_space<vmem>>
        %dma_start3A_239 = arith.constant 256 : i32
        %dma_start3A_240 = arith.constant 0 : i32
        %dma_start3A_241 = tpu.memref_slice %dma_start3A_238[%dma_start3A_239, %dma_start3A_240] : memref<512x64xf32, #tpu.memory_space<vmem>> -> memref<128x64xf32, #tpu.memory_space<vmem>>
        %dma_start3A_242 = arith.constant 0 : i32
        %dma_start3A_243 = arith.constant 0 : i32
        %dma_start3A_244 = tpu.memref_slice %run_scoped3A[%rem3A_195, %dma_start3A_242, %dma_start3A_243] : memref<2x1x512xi32, #tpu.memory_space<vmem>> -> memref<1x1x512xi32, #tpu.memory_space<vmem>>
        %dma_start3A_245 = tpu.memref_squeeze %dma_start3A_244 : memref<1x1x512xi32, #tpu.memory_space<vmem>> -> memref<1x512xi32, #tpu.memory_space<vmem>>
        %dma_start3A_246 = arith.constant 256 : i32
        %dma_start3A_247 = tpu.memref_slice %dma_start3A_245[%dma_start3A_234, %dma_start3A_246] : memref<1x512xi32, #tpu.memory_space<vmem>> -> memref<1x128xi32, #tpu.memory_space<vmem>>
        %dma_start3A_248 = tpu.memref_squeeze %dma_start3A_247 : memref<1x128xi32, #tpu.memory_space<vmem>> -> memref<128xi32, #tpu.memory_space<vmem>>
        %dma_start3A_249 = arith.constant 0 : i32
        %dma_start3A_250 = arith.constant 0 : i32
        %dma_start3A_251 = tpu.memref_slice %arg2[%dma_start3A_249, %dma_start3A_250] : memref<1000000x64xf32, #tpu.memory_space<hbm>> -> memref<1000000x64xf32, #tpu.memory_space<hbm>>
        tpu.enqueue_indirect_dma source(%dma_start3A_251 : memref<1000000x64xf32, #tpu.memory_space<hbm>>) target(%dma_start3A_241 : memref<128x64xf32, #tpu.memory_space<vmem>>) offsets(%dma_start3A_248 : memref<128xi32, #tpu.memory_space<vmem>>) semaphore(%arg5 : memref<!tpu.dma_semaphore, #tpu.memory_space<semaphore_mem>>)
        %dma_start3A_252 = arith.constant 0 : i32
        %dma_start3A_253 = arith.constant 0 : i32
        %dma_start3A_254 = arith.constant 0 : i32
        %dma_start3A_255 = tpu.memref_slice %run_scoped3A_8[%rem3A_197, %dma_start3A_253, %dma_start3A_254] : memref<2x512x64xf32, #tpu.memory_space<vmem>> -> memref<1x512x64xf32, #tpu.memory_space<vmem>>
        %dma_start3A_256 = tpu.memref_squeeze %dma_start3A_255 : memref<1x512x64xf32, #tpu.memory_space<vmem>> -> memref<512x64xf32, #tpu.memory_space<vmem>>
        %dma_start3A_257 = arith.constant 384 : i32
        %dma_start3A_258 = arith.constant 0 : i32
        %dma_start3A_259 = tpu.memref_slice %dma_start3A_256[%dma_start3A_257, %dma_start3A_258] : memref<512x64xf32, #tpu.memory_space<vmem>> -> memref<128x64xf32, #tpu.memory_space<vmem>>
        %dma_start3A_260 = arith.constant 0 : i32
        %dma_start3A_261 = arith.constant 0 : i32
        %dma_start3A_262 = tpu.memref_slice %run_scoped3A[%rem3A_195, %dma_start3A_260, %dma_start3A_261] : memref<2x1x512xi32, #tpu.memory_space<vmem>> -> memref<1x1x512xi32, #tpu.memory_space<vmem>>
        %dma_start3A_263 = tpu.memref_squeeze %dma_start3A_262 : memref<1x1x512xi32, #tpu.memory_space<vmem>> -> memref<1x512xi32, #tpu.memory_space<vmem>>
        %dma_start3A_264 = arith.constant 384 : i32
        %dma_start3A_265 = tpu.memref_slice %dma_start3A_263[%dma_start3A_252, %dma_start3A_264] : memref<1x512xi32, #tpu.memory_space<vmem>> -> memref<1x128xi32, #tpu.memory_space<vmem>>
        %dma_start3A_266 = tpu.memref_squeeze %dma_start3A_265 : memref<1x128xi32, #tpu.memory_space<vmem>> -> memref<128xi32, #tpu.memory_space<vmem>>
        %dma_start3A_267 = arith.constant 0 : i32
        %dma_start3A_268 = arith.constant 0 : i32
        %dma_start3A_269 = tpu.memref_slice %arg2[%dma_start3A_267, %dma_start3A_268] : memref<1000000x64xf32, #tpu.memory_space<hbm>> -> memref<1000000x64xf32, #tpu.memory_space<hbm>>
        tpu.enqueue_indirect_dma source(%dma_start3A_269 : memref<1000000x64xf32, #tpu.memory_space<hbm>>) target(%dma_start3A_259 : memref<128x64xf32, #tpu.memory_space<vmem>>) offsets(%dma_start3A_266 : memref<128xi32, #tpu.memory_space<vmem>>) semaphore(%arg5 : memref<!tpu.dma_semaphore, #tpu.memory_space<semaphore_mem>>)
        %dma_wait3A_270 = arith.constant 0 : i32
        %dma_wait3A_271 = arith.constant 0 : i32
        %dma_wait3A_272 = arith.constant 0 : i32
        %dma_wait3A_273 = tpu.memref_slice %run_scoped3A_8[%rem3A_197, %dma_wait3A_271, %dma_wait3A_272] : memref<2x512x64xf32, #tpu.memory_space<vmem>> -> memref<1x512x64xf32, #tpu.memory_space<vmem>>
        %dma_wait3A_274 = tpu.memref_squeeze %dma_wait3A_273 : memref<1x512x64xf32, #tpu.memory_space<vmem>> -> memref<512x64xf32, #tpu.memory_space<vmem>>
        %dma_wait3A_275 = arith.constant 0 : i32
        %dma_wait3A_276 = arith.constant 0 : i32
        %dma_wait3A_277 = tpu.memref_slice %dma_wait3A_274[%dma_wait3A_275, %dma_wait3A_276] : memref<512x64xf32, #tpu.memory_space<vmem>> -> memref<128x64xf32, #tpu.memory_space<vmem>>
        %dma_wait3A_278 = arith.constant 0 : i32
        %dma_wait3A_279 = arith.constant 0 : i32
        %dma_wait3A_280 = tpu.memref_slice %run_scoped3A[%rem3A_195, %dma_wait3A_278, %dma_wait3A_279] : memref<2x1x512xi32, #tpu.memory_space<vmem>> -> memref<1x1x512xi32, #tpu.memory_space<vmem>>
        %dma_wait3A_281 = tpu.memref_squeeze %dma_wait3A_280 : memref<1x1x512xi32, #tpu.memory_space<vmem>> -> memref<1x512xi32, #tpu.memory_space<vmem>>
        %dma_wait3A_282 = arith.constant 0 : i32
        %dma_wait3A_283 = tpu.memref_slice %dma_wait3A_281[%dma_wait3A_270, %dma_wait3A_282] : memref<1x512xi32, #tpu.memory_space<vmem>> -> memref<1x128xi32, #tpu.memory_space<vmem>>
        %dma_wait3A_284 = tpu.memref_squeeze %dma_wait3A_283 : memref<1x128xi32, #tpu.memory_space<vmem>> -> memref<128xi32, #tpu.memory_space<vmem>>
        %dma_wait3A_285 = arith.constant 0 : i32
        %dma_wait3A_286 = arith.constant 0 : i32
        %dma_wait3A_287 = tpu.memref_slice %arg2[%dma_wait3A_285, %dma_wait3A_286] : memref<1000000x64xf32, #tpu.memory_space<hbm>> -> memref<1000000x64xf32, #tpu.memory_space<hbm>>
        tpu.wait_indirect_dma semaphore(%arg5 : memref<!tpu.dma_semaphore, #tpu.memory_space<semaphore_mem>>) src(%dma_wait3A_287 : memref<1000000x64xf32, #tpu.memory_space<hbm>>) dst(%dma_wait3A_277 : memref<128x64xf32, #tpu.memory_space<vmem>>)
        %dma_wait3A_288 = arith.constant 0 : i32
        %dma_wait3A_289 = arith.constant 0 : i32
        %dma_wait3A_290 = arith.constant 0 : i32
        %dma_wait3A_291 = tpu.memref_slice %run_scoped3A_8[%rem3A_197, %dma_wait3A_289, %dma_wait3A_290] : memref<2x512x64xf32, #tpu.memory_space<vmem>> -> memref<1x512x64xf32, #tpu.memory_space<vmem>>
        %dma_wait3A_292 = tpu.memref_squeeze %dma_wait3A_291 : memref<1x512x64xf32, #tpu.memory_space<vmem>> -> memref<512x64xf32, #tpu.memory_space<vmem>>
        %dma_wait3A_293 = arith.constant 128 : i32
        %dma_wait3A_294 = arith.constant 0 : i32
        %dma_wait3A_295 = tpu.memref_slice %dma_wait3A_292[%dma_wait3A_293, %dma_wait3A_294] : memref<512x64xf32, #tpu.memory_space<vmem>> -> memref<128x64xf32, #tpu.memory_space<vmem>>
        %dma_wait3A_296 = arith.constant 0 : i32
        %dma_wait3A_297 = arith.constant 0 : i32
        %dma_wait3A_298 = tpu.memref_slice %run_scoped3A[%rem3A_195, %dma_wait3A_296, %dma_wait3A_297] : memref<2x1x512xi32, #tpu.memory_space<vmem>> -> memref<1x1x512xi32, #tpu.memory_space<vmem>>
        %dma_wait3A_299 = tpu.memref_squeeze %dma_wait3A_298 : memref<1x1x512xi32, #tpu.memory_space<vmem>> -> memref<1x512xi32, #tpu.memory_space<vmem>>
        %dma_wait3A_300 = arith.constant 128 : i32
        %dma_wait3A_301 = tpu.memref_slice %dma_wait3A_299[%dma_wait3A_288, %dma_wait3A_300] : memref<1x512xi32, #tpu.memory_space<vmem>> -> memref<1x128xi32, #tpu.memory_space<vmem>>
        %dma_wait3A_302 = tpu.memref_squeeze %dma_wait3A_301 : memref<1x128xi32, #tpu.memory_space<vmem>> -> memref<128xi32, #tpu.memory_space<vmem>>
        %dma_wait3A_303 = arith.constant 0 : i32
        %dma_wait3A_304 = arith.constant 0 : i32
        %dma_wait3A_305 = tpu.memref_slice %arg2[%dma_wait3A_303, %dma_wait3A_304] : memref<1000000x64xf32, #tpu.memory_space<hbm>> -> memref<1000000x64xf32, #tpu.memory_space<hbm>>
        tpu.wait_indirect_dma semaphore(%arg5 : memref<!tpu.dma_semaphore, #tpu.memory_space<semaphore_mem>>) src(%dma_wait3A_305 : memref<1000000x64xf32, #tpu.memory_space<hbm>>) dst(%dma_wait3A_295 : memref<128x64xf32, #tpu.memory_space<vmem>>)
        %dma_wait3A_306 = arith.constant 0 : i32
        %dma_wait3A_307 = arith.constant 0 : i32
        %dma_wait3A_308 = arith.constant 0 : i32
        %dma_wait3A_309 = tpu.memref_slice %run_scoped3A_8[%rem3A_197, %dma_wait3A_307, %dma_wait3A_308] : memref<2x512x64xf32, #tpu.memory_space<vmem>> -> memref<1x512x64xf32, #tpu.memory_space<vmem>>
        %dma_wait3A_310 = tpu.memref_squeeze %dma_wait3A_309 : memref<1x512x64xf32, #tpu.memory_space<vmem>> -> memref<512x64xf32, #tpu.memory_space<vmem>>
        %dma_wait3A_311 = arith.constant 256 : i32
        %dma_wait3A_312 = arith.constant 0 : i32
        %dma_wait3A_313 = tpu.memref_slice %dma_wait3A_310[%dma_wait3A_311, %dma_wait3A_312] : memref<512x64xf32, #tpu.memory_space<vmem>> -> memref<128x64xf32, #tpu.memory_space<vmem>>
        %dma_wait3A_314 = arith.constant 0 : i32
        %dma_wait3A_315 = arith.constant 0 : i32
        %dma_wait3A_316 = tpu.memref_slice %run_scoped3A[%rem3A_195, %dma_wait3A_314, %dma_wait3A_315] : memref<2x1x512xi32, #tpu.memory_space<vmem>> -> memref<1x1x512xi32, #tpu.memory_space<vmem>>
        %dma_wait3A_317 = tpu.memref_squeeze %dma_wait3A_316 : memref<1x1x512xi32, #tpu.memory_space<vmem>> -> memref<1x512xi32, #tpu.memory_space<vmem>>
        %dma_wait3A_318 = arith.constant 256 : i32
        %dma_wait3A_319 = tpu.memref_slice %dma_wait3A_317[%dma_wait3A_306, %dma_wait3A_318] : memref<1x512xi32, #tpu.memory_space<vmem>> -> memref<1x128xi32, #tpu.memory_space<vmem>>
        %dma_wait3A_320 = tpu.memref_squeeze %dma_wait3A_319 : memref<1x128xi32, #tpu.memory_space<vmem>> -> memref<128xi32, #tpu.memory_space<vmem>>
        %dma_wait3A_321 = arith.constant 0 : i32
        %dma_wait3A_322 = arith.constant 0 : i32
        %dma_wait3A_323 = tpu.memref_slice %arg2[%dma_wait3A_321, %dma_wait3A_322] : memref<1000000x64xf32, #tpu.memory_space<hbm>> -> memref<1000000x64xf32, #tpu.memory_space<hbm>>
        tpu.wait_indirect_dma semaphore(%arg5 : memref<!tpu.dma_semaphore, #tpu.memory_space<semaphore_mem>>) src(%dma_wait3A_323 : memref<1000000x64xf32, #tpu.memory_space<hbm>>) dst(%dma_wait3A_313 : memref<128x64xf32, #tpu.memory_space<vmem>>)
        %dma_wait3A_324 = arith.constant 0 : i32
        %dma_wait3A_325 = arith.constant 0 : i32
        %dma_wait3A_326 = arith.constant 0 : i32
        %dma_wait3A_327 = tpu.memref_slice %run_scoped3A_8[%rem3A_197, %dma_wait3A_325, %dma_wait3A_326] : memref<2x512x64xf32, #tpu.memory_space<vmem>> -> memref<1x512x64xf32, #tpu.memory_space<vmem>>
        %dma_wait3A_328 = tpu.memref_squeeze %dma_wait3A_327 : memref<1x512x64xf32, #tpu.memory_space<vmem>> -> memref<512x64xf32, #tpu.memory_space<vmem>>
        %dma_wait3A_329 = arith.constant 384 : i32
        %dma_wait3A_330 = arith.constant 0 : i32
        %dma_wait3A_331 = tpu.memref_slice %dma_wait3A_328[%dma_wait3A_329, %dma_wait3A_330] : memref<512x64xf32, #tpu.memory_space<vmem>> -> memref<128x64xf32, #tpu.memory_space<vmem>>
        %dma_wait3A_332 = arith.constant 0 : i32
        %dma_wait3A_333 = arith.constant 0 : i32
        %dma_wait3A_334 = tpu.memref_slice %run_scoped3A[%rem3A_195, %dma_wait3A_332, %dma_wait3A_333] : memref<2x1x512xi32, #tpu.memory_space<vmem>> -> memref<1x1x512xi32, #tpu.memory_space<vmem>>
        %dma_wait3A_335 = tpu.memref_squeeze %dma_wait3A_334 : memref<1x1x512xi32, #tpu.memory_space<vmem>> -> memref<1x512xi32, #tpu.memory_space<vmem>>
        %dma_wait3A_336 = arith.constant 384 : i32
        %dma_wait3A_337 = tpu.memref_slice %dma_wait3A_335[%dma_wait3A_324, %dma_wait3A_336] : memref<1x512xi32, #tpu.memory_space<vmem>> -> memref<1x128xi32, #tpu.memory_space<vmem>>
        %dma_wait3A_338 = tpu.memref_squeeze %dma_wait3A_337 : memref<1x128xi32, #tpu.memory_space<vmem>> -> memref<128xi32, #tpu.memory_space<vmem>>
        %dma_wait3A_339 = arith.constant 0 : i32
        %dma_wait3A_340 = arith.constant 0 : i32
        %dma_wait3A_341 = tpu.memref_slice %arg2[%dma_wait3A_339, %dma_wait3A_340] : memref<1000000x64xf32, #tpu.memory_space<hbm>> -> memref<1000000x64xf32, #tpu.memory_space<hbm>>
        tpu.wait_indirect_dma semaphore(%arg5 : memref<!tpu.dma_semaphore, #tpu.memory_space<semaphore_mem>>) src(%dma_wait3A_341 : memref<1000000x64xf32, #tpu.memory_space<hbm>>) dst(%dma_wait3A_331 : memref<128x64xf32, #tpu.memory_space<vmem>>)
        "tpu.trace_stop"() : () -> ()
        %ne3A_342 = arith.cmpi ne, %add3A_131, %add3A_149 : i32
        %or3A_343 = arith.constant false
        %or3A_344 = arith.ori %or3A_343, %ne3A_342 : i1
        %or3A_345 = arith.ori %or3A_344, %eq3A_130 : i1
        %convert_element_type3A_346 = arith.extui %or3A_345 : i1 to i32
        %cond3A_347 = arith.constant 0 : i32
        %cond3A_348 = arith.cmpi ne, %convert_element_type3A_346, %cond3A_347 : i32
        scf.if %cond3A_348 {
        } else {
        }
        %and3A_349 = arith.constant false
        %and3A_350 = arith.andi %or3A_345, %and3A_349 : i1
        %ne3A_351 = arith.cmpi ne, %add3A_131, %add3A_149 : i32
        %or3A_352 = arith.constant false
        %or3A_353 = arith.ori %or3A_352, %ne3A_351 : i1
        %or3A_354 = arith.constant false
        %or3A_355 = arith.ori %or3A_353, %or3A_354 : i1
        %or3A_356 = arith.ori %or3A_355, %eq3A_130 : i1
        %convert_element_type3A_357 = arith.extui %or3A_356 : i1 to i32
        %cond3A_358 = arith.constant 0 : i32
        %cond3A_359 = arith.cmpi ne, %convert_element_type3A_357, %cond3A_358 : i32
        scf.if %cond3A_359 {
          "tpu.trace_start"() <{level = 10 : i32, message = "ep_copy_out"}> : () -> ()
          %rem3A_407 = arith.constant 2 : i32
          %rem3A_408 = arith.remui %scan3A_124, %rem3A_407 : i32
          %mul3A_409 = arith.constant 512 : i32
          %mul3A_410 = arith.muli %mul3A_409, %add3A_131 : i32
          %dma_start3A_411 = arith.constant 0 : i32
          %dma_start3A_412 = arith.constant 0 : i32
          %dma_start3A_413 = tpu.memref_slice %run_scoped3A_8[%rem3A_408, %dma_start3A_411, %dma_start3A_412] : memref<2x512x64xf32, #tpu.memory_space<vmem>> -> memref<1x512x64xf32, #tpu.memory_space<vmem>>
          %dma_start3A_414 = tpu.memref_squeeze %dma_start3A_413 : memref<1x512x64xf32, #tpu.memory_space<vmem>> -> memref<512x64xf32, #tpu.memory_space<vmem>>
          %dma_start3A_415 = arith.constant 0 : i32
          %dma_start3A_416 = tpu.memref_slice %arg4[%mul3A_410, %dma_start3A_415] : memref<819200x64xf32, #tpu.memory_space<hbm>> -> memref<512x64xf32, #tpu.memory_space<hbm>>
          %dma_start3A_417 = tpu.memref_slice %run_scoped3A_9[%rem3A_408] : memref<2x!tpu.dma_semaphore, #tpu.memory_space<semaphore_mem>> -> memref<1x!tpu.dma_semaphore, #tpu.memory_space<semaphore_mem>>
          %dma_start3A_418 = tpu.memref_squeeze %dma_start3A_417 : memref<1x!tpu.dma_semaphore, #tpu.memory_space<semaphore_mem>> -> memref<!tpu.dma_semaphore, #tpu.memory_space<semaphore_mem>>
          %dma_start3A_419 = arith.constant 0 : i32
          %dma_start3A_420 = tpu.memref_slice %arg4[%mul3A_410, %dma_start3A_419] : memref<819200x64xf32, #tpu.memory_space<hbm>> -> memref<512x64xf32, #tpu.memory_space<hbm>>
          %dma_start3A_421 = arith.constant 0 : i32
          %dma_start3A_422 = arith.constant 0 : i32
          %dma_start3A_423 = tpu.memref_slice %run_scoped3A_8[%rem3A_408, %dma_start3A_421, %dma_start3A_422] : memref<2x512x64xf32, #tpu.memory_space<vmem>> -> memref<1x512x64xf32, #tpu.memory_space<vmem>>
          %dma_start3A_424 = tpu.memref_squeeze %dma_start3A_423 : memref<1x512x64xf32, #tpu.memory_space<vmem>> -> memref<512x64xf32, #tpu.memory_space<vmem>>
          tpu.enqueue_dma source(%dma_start3A_424 : memref<512x64xf32, #tpu.memory_space<vmem>>) target(%dma_start3A_420 : memref<512x64xf32, #tpu.memory_space<hbm>>) target_semaphore(%dma_start3A_418 : memref<!tpu.dma_semaphore, #tpu.memory_space<semaphore_mem>>)
          "tpu.trace_stop"() : () -> ()
        } else {
        }
        %and3A_360 = arith.constant true
        %and3A_361 = arith.andi %or3A_356, %and3A_360 : i1
        %add3A_362 = arith.constant 1 : i32
        %add3A_363 = arith.addi %scan3A_124, %add3A_362 : i32
        %select_n3A_364 = arith.select %and3A_361, %add3A_363, %scan3A_124 : i32
        %ne3A_365 = arith.cmpi ne, %add3A_131, %add3A_140 : i32
        %or3A_366 = arith.constant false
        %or3A_367 = arith.ori %or3A_366, %ne3A_365 : i1
        %not3A_368 = arith.constant true
        %not3A_369 = arith.xori %eq3A_128, %not3A_368 : i1
        %and3A_370 = arith.andi %or3A_367, %not3A_369 : i1
        %convert_element_type3A_371 = arith.extui %and3A_370 : i1 to i32
        %cond3A_372 = arith.constant 0 : i32
        %cond3A_373 = arith.cmpi ne, %convert_element_type3A_371, %cond3A_372 : i32
        scf.if %cond3A_373 {
        } else {
        }
        %and3A_374 = arith.constant false
        %and3A_375 = arith.andi %and3A_370, %and3A_374 : i1
        %ne3A_376 = arith.cmpi ne, %add3A_131, %add3A_140 : i32
        %or3A_377 = arith.constant false
        %or3A_378 = arith.ori %or3A_377, %ne3A_376 : i1
        %or3A_379 = arith.constant false
        %or3A_380 = arith.ori %or3A_378, %or3A_379 : i1
        %not3A_381 = arith.constant true
        %not3A_382 = arith.xori %eq3A_128, %not3A_381 : i1
        %and3A_383 = arith.andi %or3A_380, %not3A_382 : i1
        %convert_element_type3A_384 = arith.extui %and3A_383 : i1 to i32
        %cond3A_385 = arith.constant 0 : i32
        %cond3A_386 = arith.cmpi ne, %convert_element_type3A_384, %cond3A_385 : i32
        scf.if %cond3A_386 {
          "tpu.trace_start"() <{level = 10 : i32, message = "ep_wait_out"}> : () -> ()
          %rem3A_407 = arith.constant 2 : i32
          %rem3A_408 = arith.remui %scan3A_125, %rem3A_407 : i32
          %mul3A_409 = arith.constant 512 : i32
          %mul3A_410 = arith.muli %mul3A_409, %add3A_140 : i32
          %dma_wait3A_411 = arith.constant 0 : i32
          %dma_wait3A_412 = arith.constant 0 : i32
          %dma_wait3A_413 = tpu.memref_slice %run_scoped3A_8[%rem3A_408, %dma_wait3A_411, %dma_wait3A_412] : memref<2x512x64xf32, #tpu.memory_space<vmem>> -> memref<1x512x64xf32, #tpu.memory_space<vmem>>
          %dma_wait3A_414 = tpu.memref_squeeze %dma_wait3A_413 : memref<1x512x64xf32, #tpu.memory_space<vmem>> -> memref<512x64xf32, #tpu.memory_space<vmem>>
          %dma_wait3A_415 = arith.constant 0 : i32
          %dma_wait3A_416 = tpu.memref_slice %arg4[%mul3A_410, %dma_wait3A_415] : memref<819200x64xf32, #tpu.memory_space<hbm>> -> memref<512x64xf32, #tpu.memory_space<hbm>>
          %dma_wait3A_417 = tpu.memref_slice %run_scoped3A_9[%rem3A_408] : memref<2x!tpu.dma_semaphore, #tpu.memory_space<semaphore_mem>> -> memref<1x!tpu.dma_semaphore, #tpu.memory_space<semaphore_mem>>
          %dma_wait3A_418 = tpu.memref_squeeze %dma_wait3A_417 : memref<1x!tpu.dma_semaphore, #tpu.memory_space<semaphore_mem>> -> memref<!tpu.dma_semaphore, #tpu.memory_space<semaphore_mem>>
          %dma_wait3A_419 = arith.constant 0 : i32
          %dma_wait3A_420 = tpu.memref_slice %arg4[%mul3A_410, %dma_wait3A_419] : memref<819200x64xf32, #tpu.memory_space<hbm>> -> memref<512x64xf32, #tpu.memory_space<hbm>>
          %dma_wait3A_421 = arith.constant 0 : i32
          %dma_wait3A_422 = arith.constant 0 : i32
          %dma_wait3A_423 = tpu.memref_slice %run_scoped3A_8[%rem3A_408, %dma_wait3A_421, %dma_wait3A_422] : memref<2x512x64xf32, #tpu.memory_space<vmem>> -> memref<1x512x64xf32, #tpu.memory_space<vmem>>
          %dma_wait3A_424 = tpu.memref_squeeze %dma_wait3A_423 : memref<1x512x64xf32, #tpu.memory_space<vmem>> -> memref<512x64xf32, #tpu.memory_space<vmem>>
          tpu.wait_dma2 semaphore(%dma_wait3A_418 : memref<!tpu.dma_semaphore, #tpu.memory_space<semaphore_mem>>) src(%dma_wait3A_424 : memref<512x64xf32, #tpu.memory_space<vmem>>) dst(%dma_wait3A_420 : memref<512x64xf32, #tpu.memory_space<hbm>>)
          "tpu.trace_stop"() : () -> ()
        } else {
        }
        %and3A_387 = arith.constant true
        %and3A_388 = arith.andi %and3A_383, %and3A_387 : i1
        %add3A_389 = arith.constant 1 : i32
        %add3A_390 = arith.addi %scan3A_125, %add3A_389 : i32
        %select_n3A_391 = arith.select %and3A_388, %add3A_390, %scan3A_125 : i32
        %ne3A_392 = arith.cmpi ne, %add3A_131, %add3A_149 : i32
        %or3A_393 = arith.constant false
        %or3A_394 = arith.ori %or3A_393, %ne3A_392 : i1
        %or3A_395 = arith.ori %or3A_394, %eq3A_130 : i1
        %add3A_396 = arith.constant 1 : i32
        %add3A_397 = arith.addi %scan3A_123, %add3A_396 : i32
        %select_n3A_398 = arith.select %or3A_395, %add3A_397, %scan3A_123 : i32
        %add3A_399 = arith.constant 1 : i32
        %add3A_400 = arith.addi %scan3A_126, %add3A_399 : i32
        %select_n3A_401 = arith.constant true
        %select_n3A_402 = arith.select %select_n3A_401, %add3A_400, %scan3A_126 : i32
        %eq3A_403 = arith.constant 50 : i32
        %eq3A_404 = arith.cmpi eq, %select_n3A_402, %eq3A_403 : i32
        %select_n3A_405 = arith.constant 0 : i32
        %select_n3A_406 = arith.select %eq3A_404, %select_n3A_405, %select_n3A_402 : i32
        scf.yield %select_n3A_167, %select_n3A_398, %select_n3A_364, %select_n3A_391, %select_n3A_406 : i32, i32, i32, i32, i32
      }
      %scan3A_68 = arith.constant 50 : i32
      %sub3A = arith.constant 1 : i32
      %sub3A_69 = arith.subi %scan3A_67#4, %sub3A : i32
      %select_n3A_70 = arith.constant true
      %select_n3A_71 = arith.select %select_n3A_70, %sub3A_69, %scan3A_67#4 : i32
      %eq3A_72 = arith.constant -1 : i32
      %eq3A_73 = arith.cmpi eq, %select_n3A_71, %eq3A_72 : i32
      %select_n3A_74 = arith.constant 49 : i32
      %select_n3A_75 = arith.select %eq3A_73, %select_n3A_74, %select_n3A_71 : i32
      %add3A_76 = arith.addi %select_n3A_75, %mul3A_6 : i32
      %sub3A_77 = arith.constant 1 : i32
      %sub3A_78 = arith.subi %select_n3A_75, %sub3A_77 : i32
      %select_n3A_79 = arith.constant true
      %select_n3A_80 = arith.select %select_n3A_79, %sub3A_78, %select_n3A_75 : i32
      %eq3A_81 = arith.constant -1 : i32
      %eq3A_82 = arith.cmpi eq, %select_n3A_80, %eq3A_81 : i32
      %select_n3A_83 = arith.constant 49 : i32
      %select_n3A_84 = arith.select %eq3A_82, %select_n3A_83, %select_n3A_80 : i32
      %add3A_85 = arith.addi %select_n3A_84, %mul3A_6 : i32
      %add3A_86 = arith.constant 1 : i32
      %add3A_87 = arith.addi %select_n3A_75, %add3A_86 : i32
      %select_n3A_88 = arith.constant true
      %select_n3A_89 = arith.select %select_n3A_88, %add3A_87, %select_n3A_75 : i32
      %eq3A_90 = arith.constant 50 : i32
      %eq3A_91 = arith.cmpi eq, %select_n3A_89, %eq3A_90 : i32
      %select_n3A_92 = arith.constant 0 : i32
      %select_n3A_93 = arith.select %eq3A_91, %select_n3A_92, %select_n3A_89 : i32
      %add3A_94 = arith.addi %select_n3A_93, %mul3A_6 : i32
      %add3A_95 = arith.constant 1 : i32
      %add3A_96 = arith.addi %select_n3A_93, %add3A_95 : i32
      %select_n3A_97 = arith.constant true
      %select_n3A_98 = arith.select %select_n3A_97, %add3A_96, %select_n3A_93 : i32
      %eq3A_99 = arith.constant 50 : i32
      %eq3A_100 = arith.cmpi eq, %select_n3A_98, %eq3A_99 : i32
      %select_n3A_101 = arith.constant 0 : i32
      %select_n3A_102 = arith.select %eq3A_100, %select_n3A_101, %select_n3A_98 : i32
      %add3A_103 = arith.addi %select_n3A_102, %mul3A_6 : i32
      "tpu.trace_start"() <{level = 10 : i32, message = "ep_finalize"}> : () -> ()
      %rem3A_104 = arith.constant 2 : i32
      %rem3A_105 = arith.remui %scan3A_67#3, %rem3A_104 : i32
      %mul3A_106 = arith.constant 512 : i32
      %mul3A_107 = arith.muli %mul3A_106, %add3A_76 : i32
      %dma_wait3A = arith.constant 0 : i32
      %dma_wait3A_108 = arith.constant 0 : i32
      %dma_wait3A_109 = tpu.memref_slice %run_scoped3A_8[%rem3A_105, %dma_wait3A, %dma_wait3A_108] : memref<2x512x64xf32, #tpu.memory_space<vmem>> -> memref<1x512x64xf32, #tpu.memory_space<vmem>>
      %dma_wait3A_110 = tpu.memref_squeeze %dma_wait3A_109 : memref<1x512x64xf32, #tpu.memory_space<vmem>> -> memref<512x64xf32, #tpu.memory_space<vmem>>
      %dma_wait3A_111 = arith.constant 0 : i32
      %dma_wait3A_112 = tpu.memref_slice %arg4[%mul3A_107, %dma_wait3A_111] : memref<819200x64xf32, #tpu.memory_space<hbm>> -> memref<512x64xf32, #tpu.memory_space<hbm>>
      %dma_wait3A_113 = tpu.memref_slice %run_scoped3A_9[%rem3A_105] : memref<2x!tpu.dma_semaphore, #tpu.memory_space<semaphore_mem>> -> memref<1x!tpu.dma_semaphore, #tpu.memory_space<semaphore_mem>>
      %dma_wait3A_114 = tpu.memref_squeeze %dma_wait3A_113 : memref<1x!tpu.dma_semaphore, #tpu.memory_space<semaphore_mem>> -> memref<!tpu.dma_semaphore, #tpu.memory_space<semaphore_mem>>
      %dma_wait3A_115 = arith.constant 0 : i32
      %dma_wait3A_116 = tpu.memref_slice %arg4[%mul3A_107, %dma_wait3A_115] : memref<819200x64xf32, #tpu.memory_space<hbm>> -> memref<512x64xf32, #tpu.memory_space<hbm>>
      %dma_wait3A_117 = arith.constant 0 : i32
      %dma_wait3A_118 = arith.constant 0 : i32
      %dma_wait3A_119 = tpu.memref_slice %run_scoped3A_8[%rem3A_105, %dma_wait3A_117, %dma_wait3A_118] : memref<2x512x64xf32, #tpu.memory_space<vmem>> -> memref<1x512x64xf32, #tpu.memory_space<vmem>>
      %dma_wait3A_120 = tpu.memref_squeeze %dma_wait3A_119 : memref<1x512x64xf32, #tpu.memory_space<vmem>> -> memref<512x64xf32, #tpu.memory_space<vmem>>
      tpu.wait_dma2 semaphore(%dma_wait3A_114 : memref<!tpu.dma_semaphore, #tpu.memory_space<semaphore_mem>>) src(%dma_wait3A_120 : memref<512x64xf32, #tpu.memory_space<vmem>>) dst(%dma_wait3A_116 : memref<512x64xf32, #tpu.memory_space<hbm>>)
      "tpu.trace_stop"() : () -> ()
      tpu.yield
    }) : () -> ()
    return
  }
}

module attributes {stable_mosaic.version = 14 : i64} {
  func.func @body(%arg0: i32, %arg1: memref<8192x128xf32, #tpu.memory_space<vmem>>, %arg2: memref<1x64x16384xf32, #tpu.memory_space<vmem>>) attributes {dimension_semantics = [#tpu.dimension_semantics<arbitrary>], iteration_bounds = array<i64: 50>, scalar_prefetch = 0 : i64, scratch_operands = 0 : i64, tpu.core_type = #tpu.core_type<tc>, window_params = [{transform_indices = @transform_0, window_bounds = array<i64: 8192, 128>}, {transform_indices = @transform_1, window_bounds = array<i64: 1, 64, 16384>}]} {
    %get3A = arith.constant 0 : index
    %get3A_0 = arith.constant 0 : index
    %get3A_1 = vector.load %arg1[%get3A, %get3A_0] : memref<8192x128xf32, #tpu.memory_space<vmem>>, vector<8192x128xf32>
    %slice3A = vector.extract_strided_slice %get3A_1 {offsets = [0, 0], sizes = [8192, 64], strides = [1, 1]} : vector<8192x128xf32> to vector<8192x64xf32>
    %transpose3A = tpu.transpose %slice3A, [1, 0] : vector<8192x64xf32> -> vector<64x8192xf32>
    %slice3A_2 = vector.extract_strided_slice %get3A_1 {offsets = [0, 64], sizes = [8192, 64], strides = [1, 1]} : vector<8192x128xf32> to vector<8192x64xf32>
    %transpose3A_3 = tpu.transpose %slice3A_2, [1, 0] : vector<8192x64xf32> -> vector<64x8192xf32>
    %concatenate3A = tpu.concatenate %transpose3A, %transpose3A_3 in 1 : vector<64x8192xf32>, vector<64x8192xf32> -> vector<64x16384xf32>
    %swap3A = arith.constant 0 : index
    %swap3A_4 = arith.constant 0 : index
    %swap3A_5 = arith.constant 0 : index
    %swap3A_6 = vector.load %arg2[%swap3A, %swap3A_4, %swap3A_5] : memref<1x64x16384xf32, #tpu.memory_space<vmem>>, vector<1x64x16384xf32>
    %swap3A_7 = vector.shape_cast %swap3A_6 : vector<1x64x16384xf32> to vector<64x16384xf32>
    %swap3A_8 = vector.shape_cast %concatenate3A : vector<64x16384xf32> to vector<1x64x16384xf32>
    tpu.vector_store %arg2[%swap3A, %swap3A_4, %swap3A_5], %swap3A_8 {strides = array<i32>} : memref<1x64x16384xf32, #tpu.memory_space<vmem>>, vector<1x64x16384xf32>,
    return
  }
  func.func @transform_0(%arg0: i32) -> (i32, i32) {
    %c0_i32 = arith.constant 0 : i32
    %c0_i32_0 = arith.constant 0 : i32
    return %arg0, %c0_i32 : i32, i32
  }
  func.func @transform_1(%arg0: i32) -> (i32, i32, i32) {
    %c0_i32 = arith.constant 0 : i32
    %c0_i32_0 = arith.constant 0 : i32
    %c0_i32_1 = arith.constant 0 : i32
    return %arg0, %c0_i32, %c0_i32_0 : i32, i32, i32
  }
}

</mosaic_0001>

<sc_bundles>
// kernel: kernel.4.cloned.1.call-start
scs
__scs_entry_jumppad:
0x0: {  	(pc) =	sbr.rel $0x88, $3  }
0x1: {  	(tag) =	ssettag $0x0;
	lr =	simm.s32 $0x1  }
0x2: {  	[smem:$0x3F9F] =	sst lr;
	_ =	strace $0xD0000000  }
0x3: {  	_ = 	snop  }
0x4: {  	_ = 	snop  }
0x5: {  	_ = 	snop  }
0x6: {  	_ = 	snop  }
0x7: {  	_ = 	snop  }
__scs_overlays_trampoline_lowered:
0x8: {  	[smem:$0x3FAE] =	sst s0  }
0x9: {  	[smem:$0x3FAF] =	sst s1  }
0xa: {  	[smem:$0x3FB0] =	sst s2  }
0xb: {  	[smem:$0x3FB1] =	sst s3  }
0xc: {  	[smem:$0x3FB2] =	sst s4  }
0xd: {  	[smem:$0x3FB3] =	sst s5  }
0xe: {  	[smem:$0x3FB4] =	sst s6  }
0xf: {  	[smem:$0x3FB5] =	sst s7  }
0x10: {  	[smem:$0x3FB6] =	sst s8  }
0x11: {  	[smem:$0x3FB7] =	sst s9;
	s0 =	simm.s32 @!p0 $0x0  }
0x12: {  	s1 =	sld [smem:$0x3F9D];
	s0 =	simm.s32 @p0 $0x1  }
0x13: {  	[smem:$0x3FB8] =	sst s0;
	s0 =	simm.s32 @!p1 $0x0  }
0x14: {  	s2 =	sld [smem:$0x3F9C];
	s0 =	simm.s32 @p1 $0x1  }
0x15: {  	[smem:$0x3FB9] =	sst s0;
	s0 =	simm.s32 @!p2 $0x0  }
0x16: {  	s3 =	sld [smem:$0x3FDB];
	s0 =	simm.s32 @p2 $0x1  }
0x17: {  	s4 =	simm.s32 $0x1BF5;
	[smem:$0x3FBB] =	sst s0  }
0x18: {  	s0 =	sld [smem:$0x3F9E];
	_ =	swait.ge [sflag:s4], $0x0  }
0x19: {  	s7 =	sld [smem:$0x3F9F]  }
0x1a: {  	s8 =	sadd.s32 $0xFFFFE003, lr  }
0x1b: {  	s9 =	sadd.s32 $0xFFFFFEF7, lr;
	s5 =	simm.s32 $0xFFFFFFFF;
	p2 =	slt.u32 s8, $0xFFFFF086  }
0x1c: {  	p1 =	slt.u32 s9, $0xF7A;
	s5 =	simm.s32 @!p2 $0x0  }
0x1d: {  	s5 =	simm.s32 @p1 $0x1;
	p0 =	seq.s32 s7, s2  }
0x1e: {  	s7 =	smul.u32 @!p0 $0xF7A, s2;
	p2 =	seq.s32 @!p0 s5, $0x0  }
0x1f: {  	s9 =	smul.u32 $0xF7A, s1;
	s8 =	simm.s32 @!p0 $0x1BF5;
	p2 =	por !p2, p0  }
0x20: {  	[sflag:s8] =	ssyncset.s32 @!p0 $0xFFFFF086;
	s6 =	sadd.s32 @!p0 s3, s7;
	s7 =	simm.s32 @!p0 $0x108  }
0x21: {  	s3 =	sadd.s32 s3, s9;
	s6 =	sadd.s32 @!p0 $0x88, s6;
	s7 =	simm.s32 @p2 $0x1082  }
0x22: {  	[simem:s7], [sflag:s8] =	dma.local @!p0 [hbm:s6], $0xF7A  }
0x23: {  	s9 =	sor.u32 $0xD0000000, s2;
	s6 =	simm.s32 $0x108;
	_ =	swait.ge @!p0 [sflag:s8], $0x0  }
0x24: {  	s3 =	sadd.s32 $0x88, s3;
	s6 =	simm.s32 @!p1 $0x1082;
	[sflag:s4] =	ssyncset.s32 $0xFFFFF086  }
0x25: {  	[simem:s6], [sflag:s4] =	dma.local [hbm:s3], $0xF7A  }
0x26: {  	[smem:$0x3F9F] =	sst s1;
	(tag) =	ssettag s2;
	_ =	strace s9  }
0x27: {  	s1 =	sld [smem:$0x3FAF]  }
0x28: {  	s2 =	sld [smem:$0x3FB0]  }
0x29: {  	s4 =	sld [smem:$0x3FB2]  }
0x2a: {  	p0 =	seq.s32 s5, $0x0;
	s5 =	sld [smem:$0x3FB3]  }
0x2b: {  	s6 =	sld [smem:$0x3FB4]  }
0x2c: {  	s7 =	sld [smem:$0x3FB5]  }
0x2d: {  	s3 =	simm.s32 $0x108;
	s8 =	sld [smem:$0x3FB6]  }
0x2e: {  	s3 =	simm.s32 @!p0 $0x1082;
	s9 =	sld [smem:$0x3FB7]  }
0x2f: {  	lr =	sadd.s32 s0, s3;
	s0 =	sld [smem:$0x3FAE]  }
0x30: {  	s3 =	sld [smem:$0x3FB1]  }
0x31: {  	[smem:$0x3FBA] =	sst s10  }
0x32: {  	s10 =	sld [smem:$0x3FB8];
	_ =	sdelay $0x3  }
0x33: {  	p0 =	seq.s32 s10, $0x1;
	s10 =	sld [smem:$0x3FBA];
	_ =	sdelay $0x3  }
0x34: {  	[smem:$0x3FBA] =	sst s10  }
0x35: {  	s10 =	sld [smem:$0x3FB9];
	_ =	sdelay $0x3  }
0x36: {  	p1 =	seq.s32 s10, $0x1;
	s10 =	sld [smem:$0x3FBA];
	_ =	sdelay $0x3  }
0x37: {  	[smem:$0x3FBA] =	sst s10  }
0x38: {  	s10 =	sld [smem:$0x3FBB]  }
0x39: {  	_ = 	snop;
	(pc) =	sbr.ind lr, $3  }
0x3a: {  	_ = 	snop  }
0x3b: {  	_ = 	snop  }
0x3c: {  	p2 =	seq.s32 s10, $0x1;
	s10 =	sld [smem:$0x3FBA]  }
0x3d: {  	_ =	shalt  }
0x3e: {  	_ =	shalt  }
0x3f: {  	_ =	shalt  }
0x40: {  	_ =	shalt  }
0x41: {  	_ =	shalt  }
0x42: {  	_ =	shalt  }
0x43: {  	_ =	shalt  }
0x44: {  	_ =	shalt  }
0x45: {  	_ =	shalt  }
0x46: {  	_ =	shalt  }
0x47: {  	_ =	shalt  }
0x48: {  	_ =	shalt  }
0x49: {  	_ =	shalt  }
0x4a: {  	_ =	shalt  }
0x4b: {  	_ =	shalt  }
0x4c: {  	_ =	shalt  }
0x4d: {  	_ =	shalt  }
0x4e: {  	_ =	shalt  }
0x4f: {  	_ =	shalt  }
0x50: {  	_ =	shalt  }
0x51: {  	_ =	shalt  }
0x52: {  	_ =	shalt  }
0x53: {  	_ =	shalt  }
0x54: {  	_ =	shalt  }
0x55: {  	_ =	shalt  }
0x56: {  	_ =	shalt  }
0x57: {  	_ =	shalt  }
0x58: {  	_ =	shalt  }
0x59: {  	_ =	shalt  }
0x5a: {  	_ =	shalt  }
0x5b: {  	_ =	shalt  }
0x5c: {  	_ =	shalt  }
0x5d: {  	_ =	shalt  }
0x5e: {  	_ =	shalt  }
0x5f: {  	_ =	shalt  }
0x60: {  	_ =	shalt  }
0x61: {  	_ =	shalt  }
0x62: {  	_ =	shalt  }
0x63: {  	_ =	shalt  }
0x64: {  	_ =	shalt  }
0x65: {  	_ =	shalt  }
0x66: {  	_ =	shalt  }
0x67: {  	_ =	shalt  }
0x68: {  	_ =	shalt  }
0x69: {  	_ =	shalt  }
0x6a: {  	_ =	shalt  }
0x6b: {  	_ =	shalt  }
0x6c: {  	_ =	shalt  }
0x6d: {  	_ =	shalt  }
0x6e: {  	_ =	shalt  }
0x6f: {  	_ =	shalt  }
0x70: {  	_ =	shalt  }
0x71: {  	_ =	shalt  }
0x72: {  	_ =	shalt  }
0x73: {  	_ =	shalt  }
0x74: {  	_ =	shalt  }
0x75: {  	_ =	shalt  }
0x76: {  	_ =	shalt  }
0x77: {  	_ =	shalt  }
0x78: {  	_ =	shalt  }
0x79: {  	_ =	shalt  }
0x7a: {  	_ =	shalt  }
0x7b: {  	_ =	shalt  }
0x7c: {  	_ =	shalt  }
0x7d: {  	_ =	shalt  }
0x7e: {  	_ =	shalt  }
0x7f: {  	_ =	shalt  }
0x80: {  	_ =	shalt  }
0x81: {  	_ =	shalt  }
0x82: {  	_ =	shalt  }
0x83: {  	_ =	shalt  }
0x84: {  	_ =	shalt  }
0x85: {  	_ =	shalt  }
0x86: {  	_ =	shalt  }
0x87: {  	_ =	shalt  }
.Lfunc_end0:
.L_simem_size_0:
called_computation_lowered:
.L_overlay_start_0:
0x88: {  	s2 =	sld [smem:$0x3FD9]  }
0x89: {  	s3 =	sld [smem:$0x3FFE];
	_ =	sdelay $0x1  }
0x8a: {  	s1 =	srdreg.scid  }
0x8b: {  	s0 =	sand.u32 $0x1, s1  }
0x8c: {  	s16 =	sshll.u32 s0, $0xA;
	s2 =	sadd.s32 s3, s2  }
0x8d: {  	s2 =	sadd.s32 s2, s16  }
0x8e: {  	[smem:$0x3FC6] =	sst s2  }
0x8f: {  	_ = 	snop  }
0x90: {  	(tm) =	ssettm $0x1  }
0x91: {  	s17 =	sld [smem:$0x3FFB];
	_ =	sdelay $0x3  }
0x92: {  	_ =	strace s17  }
0x93: {  	s2 =	sld [smem:$0x3FFC];
	_ =	sdelay $0x3  }
0x94: {  	_ =	strace s2  }
0x95: {  	s2 =	sld [smem:$0x3FFD];
	_ =	sdelay $0x3  }
0x96: {  	_ =	strace s2  }
0x97: {  	_ =	strace $0x8FFFFFFF  }
0x98: {  	s18 =	sld [smem:$0x3FDB];
	_ =	sdelay $0x1  }
0x99: {  	s19 =	simm.s32 $_scs_section_size  }
0x9a: {  	s4 =	simm.s32 $_size__tile_overlayer_lowered;
	s5 =	simm.s32 $_tile_overlayer_lowered  }
0x9b: {  	s22 =	simm.s32 $0x1BFF;
	s21 =	sshll.u32 s5, $0x1;
	s2 =	sadd.s32 s19, s18  }
0x9c: {  	s6 =	simm.s32 $0x0;
	s20 =	sshll.u32 s4, $0x1;
	s4 =	sadd.s32 s21, s2  }
0x9d: {  	[timem:s6], [sflag:s22] =	dma.local [hbm:s4], s20  }
0x9e: {  	_ =	swait.ge [sflag:s22], s20  }
0x9f: {  	s3 =	ssub.s32 $0x0, s20;
	[sflag:s22] =	ssyncset.done $0x0  }
0xa0: {  	[sflag:s22] =	ssyncadd.s32 s3;
	_ =	sdelay $0x1  }
0xa1: {  	s23 =	simm.s32 $0x1B8B  }
0xa2: {  	_ =	swait.ge [sflag:s23], $0x1  }
0xa3: {  	[sflag:s23] =	ssyncset.done $0x0  }
0xa4: {  	s25 =	simm.s32 $0x1B8E;
	s24 =	sld [smem:$0x3FFE];
	[sflag:s23] =	ssyncadd.s32 $0xFFFFFFFF  }
0xa5: {  	s26 =	simm.s32 $execute0_lowered;
	[smem:$0x3FD2] =	sst s25  }
0xa6: {  	s4 =	sshll.u32 s26, $0x1;
	_ =	strace $0x80000046;
	[dreg:$0x1] =	wrdreg $0xFFFFFFFF  }
0xa7: {  	s28 =	simm.s32 $_size_execute0_lowered;
	s2 =	sadd.s32 s2, s4;
	[dreg:$0x0] =	wrdreg $0x0  }
0xa8: {  	s4 =	sshll.u32 s28, $0x1;
	[dreg:$0x2] =	wrdreg s2  }
0xa9: {  	[dreg:$0x3] =	wrdreg s4  }
0xaa: {  	[dreg:$0x4] =	wrdreg $0xC0  }
0xab: {  	_ =	task [dreg:s6], $0x5FFFF  }
0xac: {  	[dreg:$0x1] =	wrdreg $0xFFFFFFFF  }
0xad: {  	[dreg:$0x0] =	wrdreg $0x60  }
0xae: {  	[dreg:$0x2] =	wrdreg s24  }
0xaf: {  	[dreg:$0x3] =	wrdreg $0x9  }
0xb0: {  	_ =	task.clear_ibuf [dreg:s6], $0x4FFFF;
	_ =	strace $0x90000046  }
0xb1: {  	s29 =	simm.s32 $0x9;
	_ =	strace $0x8000004F  }
0xb2: {  	_ =	swait.ge [sflag:s29], $0x1  }
0xb3: {  	[sflag:s29] =	ssyncadd.s32 $0xFFFFFFFF  }
0xb4: {  	_ =	strace $0x9000004F  }
0xb5: {  	_ =	sfence  }
0xb6: {  	s30 =	sld [smem:$0x0];
	_ =	sdelay $0x2  }
0xb7: {  	s31 =	sshll.u32 s1, $0xD;
	s1 =	sshrl.u32 s1, $0x2  }
0xb8: {  	s3 =	sand.u32 $0x4000, s31;
	s1 =	sadd.s32 s1, s30  }
0xb9: {  	s0 =	sor.u32 s3, s0;
	s1 =	sshll.u32 s1, $0x11  }
0xba: {  	s0 =	sor.u32 s1, s0  }
0xbb: {  	s0 =	sadd.s32 $0x8F2B, s0  }
0xbc: {  	[sflag:s0] =	ssyncadd.remote.s32 $0x1  }
0xbd: {  	_ =	sfence.sel $0xFFFF  }
0xbe: {  	[dreg:$0x0] =	wrdreg $0xFFFFFFFF;
	(pc) =	sbr.abs _section_cstart, $3  }
0xbf: {  	[dreg:$0x1] =	wrdreg $0xFFFFFFFF  }
0xc0: {  	_ =	task.clear_ibuf [dreg:s6], $0x2FFFF;
	_ =	strace $0x9FFFFFFF  }
0xc1: {  	(tm) =	ssettm $0x7FFFFFFF  }
tec
execute0_lowered:
.L_overlay_start_1:
0x0: {  	(tag) =	ssettag $0x1  }
0x1: {  	s5 =	rddreg [dreg:$0x0]  }
0x2: {  	s0 =	rddreg [dreg:$0x1];
	s1 =	simm.s32 $0x0;
	s2 =	srdreg.scid  }
0x3: {  	s10 =	simm.s32 $0x5;
	s11 =	simm.s32 $0x0;
	[smem:$0x7FF] =	sst s1  }
0x4: {  	s6 =	sand.u32 $0x1, s2;
	s3 =	sadd.s32 $0xF42A00, s5;
	s2 =	stileid.u32  }
0x5: {  	s4 =	sadd.s32 $0x600, s5;
	s7 =	sshll.u32 s6, $0x4;
	s6 =	ssub.s32 $0x2, s6  }
0x6: {  	s5 =	sadd.s32 $0x19600, s5;
	s7 =	sor.u32 s2, s7;
	s8 =	sshrl.u32 s6, $0x1  }
0x7: {  	_ =	strace $0x80000047;
	s9 =	smul.u32 $0xC80, s7;
	s8 =	ssub.s32 s6, s8  }
0x8: {  	[dreg:$0x2] =	wrdreg s5;
	s5 =	smul.u32 $0x32, s7;
	s7 =	smax.u32 s8, $0x1  }
0x9: {  	s8 =	simm.s32 $0x1;
	s6 =	sadd.s32 s4, s9;
	s9 =	simm.s32 $0x80  }
.LBB2_1:
0xa: {  	_ =	strace $0x80000048;
	s12 =	simm.s32 $0x1;
	p0 =	por $0x0, $0x0  }
0xb: {  	[tilespmem:s1], [sflag:$0x2] =	stream.linear.gather [hbm4b:s6+s1], $0x200, $0x200038;
	[tilespmem:$0x10400] =	vst v63  }
0xc: {  	s12 =	simm.s32 @p0 $0x0  }
0xd: {  	p5 =	por $0x1, $0x1;
	p3 =	sne.s32 s12, $0x0  }
0xe: {  	p0 =	por !p5, !p3  }
0xf: {  	p0 =	por !p0, !p0  }
0x10: {  	s13 =	sadd.s32 @p0 s5, s12  }
0x11: {  	_ =	strace $0x90000048;
	s14 =	sand.u32 @p0 $0x1, s8;
	s13 =	sshll.u32 @p0 s13, $0x6  }
0x12: {  	s15 =	simm.s32 @p0 $0x0;
	_ =	strace @p0 $0x80000049;
	s13 =	sand.u32 @p0 $0x1FFFFFC0, s13  }
0x13: {  	s16 =	sshll.u32 @p0 s14, $0x9;
	s14 =	sor.u32 @p0 $0x2, s14;
	s13 =	sadd.s32 @p0 s4, s13  }
0x14: {  	[tilespmem:s16], [sflag:s14] =	stream.linear.gather @p0 [hbm4b:s13+s15], $0x200, $0x200038;
	[tilespmem:$0x10400] =	vst v63  }
0x15: {  	s20 =	sand.u32 $0x1, s1;
	_ =	strace @p0 $0x90000049  }
0x16: {  	s22 =	sor.u32 $0x2, s20;
	_ =	strace $0x8000004A  }
0x17: {  	_ =	swait.ge [sflag:s22], $0x200  }
0x18: {  	[sflag:s22] =	ssyncset.done $0x0  }
0x19: {  	s24 =	simm.s32 $0x0;
	[sflag:s22] =	ssyncadd.s32 $0xFFFFFE00  }
0x1a: {  	p1 =	por $0x1, $0x1;
	s23 =	sshll.u32 s20, $0xF;
	_ =	strace $0x9000004A  }
0x1b: {  	s19 =	sor.u32 $0x400, s23;
	s14 =	sand.u32 $0x200, s24;
	_ =	strace $0x8000004B  }
0x1c: {  	[tilespmem:s19], [sflag:$0x1] =	stream.indirect.gather [hbm4b:s3+s9], $0x40, s14, s9, $0x2000b8;
	[tilespmem:$0x10400] =	vst v63  }
0x1d: {  	p4 =	por $0x0, $0x0;
	s25 =	sor.u32 $0x2400, s23;
	s26 =	sor.u32 $0x80, s14  }
0x1e: {  	[tilespmem:s25], [sflag:$0x1] =	stream.indirect.gather [hbm4b:s3+s9], $0x40, s26, s9, $0x2000b8;
	[tilespmem:$0x10400] =	vst v63  }
0x1f: {  	s17 =	simm.s32 $0x1;
	s30 =	sor.u32 $0x4400, s23;
	s31 =	sor.u32 $0x100, s14  }
0x20: {  	[tilespmem:s30], [sflag:$0x1] =	stream.indirect.gather [hbm4b:s3+s9], $0x40, s31, s9, $0x2000b8;
	[tilespmem:$0x10400] =	vst v63  }
0x21: {  	p6 =	por $0x1, $0x1;
	s13 =	sor.u32 $0x6400, s23;
	s14 =	sor.u32 $0x180, s14  }
0x22: {  	[tilespmem:s13], [sflag:$0x1] =	stream.indirect.gather [hbm4b:s3+s9], $0x40, s14, s9, $0x2000b8;
	[tilespmem:$0x10400] =	vst v63  }
0x23: {  	s28 =	simm.s32 $0x1;
	s21 =	simm.s32 $0x0;
	_ =	swait.ge [sflag:s8], $0x2000  }
0x24: {  	p2 =	por p1, p1;
	s18 =	sadd.s32 $0x1, s12;
	[sflag:s8] =	ssyncset.done $0x0  }
0x25: {  	p5 =	por $0x0, $0x0;
	s17 =	simm.s32 @!p0 $0x0;
	[sflag:s8] =	ssyncadd.s32 $0xFFFFE000  }
0x26: {  	s16 =	simm.s32 $0x30;
	s23 =	simm.s32 $0x1;
	_ =	swait.ge [sflag:s8], $0x2000  }
0x27: {  	s23 =	simm.s32 @!p5 $0x0;
	p5 =	seq.s32 s18, $0x32;
	[sflag:s8] =	ssyncset.done $0x0  }
0x28: {  	s15 =	sand.u32 @!p1 $0x1, s1;
	s18 =	simm.s32 @p5 $0x0;
	[sflag:s8] =	ssyncadd.s32 $0xFFFFE000  }
0x29: {  	p1 =	por $0x0, $0x0;
	p0 =	sne.s32 s12, s18;
	_ =	swait.ge [sflag:s8], $0x2000  }
0x2a: {  	p5 =	por p4, p3;
	p6 =	por !p6, !p0;
	[sflag:s8] =	ssyncset.done $0x0  }
0x2b: {  	s28 =	simm.s32 @!p5 $0x0;
	p3 =	por !p6, !p6;
	[sflag:s8] =	ssyncadd.s32 $0xFFFFE000  }
0x2c: {  	s22 =	sadd.s32 $0x1, s17;
	s17 =	simm.s32 $0x0;
	_ =	swait.ge [sflag:s8], $0x2000  }
0x2d: {  	s24 =	sadd.s32 @p3 s5, s18;
	s26 =	sand.u32 @p3 $0x1, s22;
	[sflag:s8] =	ssyncset.done $0x0  }
0x2e: {  	s13 =	simm.s32 $0x31;
	s14 =	sadd.s32 $0x0, s5;
	[sflag:s8] =	ssyncadd.s32 $0xFFFFE000  }
0x2f: {  	s29 =	sshll.u32 @p5 s14, $0xC;
	s14 =	simm.s32 $0x0;
	_ =	strace $0x9000004B  }
.LBB2_2:
0x30: {  	s30 =	sshll.u32 @p3 s24, $0x6;
	_ =	strace @p5 $0x8000004C;
	s20 =	sor.u32 @p5 $0x4, s20  }
0x31: {  	s25 =	smov.u32 s12;
	s29 =	sand.u32 @p5 $0x1FFFF000, s29;
	s17 =	sadd.s32 s28, s17  }
0x32: {  	s21 =	sadd.s32 s28, s21;
	s12 =	sand.u32 @p3 $0x1FFFFFC0, s30;
	s30 =	rddreg [dreg:$0x2]  }
0x33: {  	s31 =	sadd.s32 @p3 s4, s12;
	s12 =	simm.s32 @p5 $0x0;
	s28 =	sadd.s32 @p5 s30, s29  }
0x34: {  	[hbm4b:s28+s12] =	stream.linear.scatter @p5 [tilespmem:s19], [sflag:s20], $0x8000, $0x200038;
	[tilespmem:$0x10400] =	vst v63  }
0x35: {  	_ =	strace @p5 $0x9000004C  }
0x36: {  	s19 =	sor.u32 @!p2 $0x4, s15;
	_ =	strace @!p2 $0x8000004D  }
0x37: {  	_ =	swait.ge @!p2 [sflag:s19], $0x8000  }
0x38: {  	s14 =	sadd.s32 s23, s14;
	[sflag:s19] =	ssyncset.done @!p2 $0x0  }
0x39: {  	s23 =	sand.u32 @!p1 $0x1, s14;
	[sflag:s19] =	ssyncadd.s32 @!p2 $0xFFFF8000  }
0x3a: {  	s15 =	smov.u32 s23;
	s20 =	simm.s32 @p3 $0x0;
	_ =	strace @!p2 $0x9000004D  }
0x3b: {  	s23 =	sshll.u32 @p3 s26, $0x9;
	s26 =	sor.u32 @p3 $0x2, s26;
	_ =	strace @p3 $0x80000049  }
0x3c: {  	[tilespmem:s23], [sflag:s26] =	stream.linear.gather @p3 [hbm4b:s31+s20], $0x200, $0x200038;
	[tilespmem:$0x10400] =	vst v63  }
0x3d: {  	s30 =	sand.u32 $0x1, s21;
	_ =	strace @p3 $0x90000049  }
0x3e: {  	s28 =	sor.u32 $0x2, s30;
	_ =	strace $0x8000004A  }
0x3f: {  	_ =	swait.ge [sflag:s28], $0x200  }
0x40: {  	[sflag:s28] =	ssyncset.done $0x0  }
0x41: {  	s20 =	sand.u32 $0x1, s17;
	[sflag:s28] =	ssyncadd.s32 $0xFFFFFE00  }
0x42: {  	s31 =	sshll.u32 s21, $0x9;
	s30 =	sshll.u32 s20, $0xF;
	_ =	strace $0x9000004A  }
0x43: {  	s26 =	sand.u32 $0x200, s31;
	s19 =	sor.u32 $0x400, s30;
	_ =	strace $0x8000004B  }
0x44: {  	[tilespmem:s19], [sflag:$0x1] =	stream.indirect.gather [hbm4b:s3+s9], $0x40, s26, s9, $0x2000b8;
	[tilespmem:$0x10400] =	vst v63  }
0x45: {  	s24 =	smov.u32 s13;
	s29 =	sor.u32 $0x80, s26;
	s28 =	sor.u32 $0x2400, s30  }
0x46: {  	[tilespmem:s28], [sflag:$0x1] =	stream.indirect.gather [hbm4b:s3+s9], $0x40, s29, s9, $0x2000b8;
	[tilespmem:$0x10400] =	vst v63  }
0x47: {  	s13 =	smov.u32 s16;
	s28 =	sor.u32 $0x4400, s30;
	s29 =	sor.u32 $0x100, s26  }
0x48: {  	[tilespmem:s28], [sflag:$0x1] =	stream.indirect.gather [hbm4b:s3+s9], $0x40, s29, s9, $0x2000b8;
	[tilespmem:$0x10400] =	vst v63  }
0x49: {  	s16 =	sadd.s32 $0xFFFFFFFF, s16;
	s23 =	sor.u32 $0x6400, s30;
	s26 =	sor.u32 $0x180, s26  }
0x4a: {  	[tilespmem:s23], [sflag:$0x1] =	stream.indirect.gather [hbm4b:s3+s9], $0x40, s26, s9, $0x2000b8;
	[tilespmem:$0x10400] =	vst v63  }
0x4b: {  	p4 =	sne.s32 s16, $0x0;
	s25 =	sadd.s32 s5, s25;
	_ =	swait.ge [sflag:s8], $0x2000  }
0x4c: {  	p6 =	sne.s32 s24, $0x32;
	s12 =	smov.u32 s18;
	[sflag:s8] =	ssyncset.done $0x0  }
0x4d: {  	p5 =	seq.s32 s24, $0x1;
	s24 =	simm.s32 $0x1;
	[sflag:s8] =	ssyncadd.s32 $0xFFFFE000  }
0x4e: {  	s18 =	sadd.s32 $0x1, s18;
	s24 =	simm.s32 @!p3 $0x0;
	_ =	swait.ge [sflag:s8], $0x2000  }
0x4f: {  	p5 =	por p5, p0;
	s22 =	sadd.s32 s24, s22;
	[sflag:s8] =	ssyncset.done $0x0  }
0x50: {  	p2 =	por p1, p1;
	p1 =	seq.s32 s13, $0x32;
	[sflag:s8] =	ssyncadd.s32 $0xFFFFE000  }
0x51: {  	s29 =	sshll.u32 @p5 s25, $0xC;
	s23 =	simm.s32 $0x1;
	_ =	swait.ge [sflag:s8], $0x2000  }
0x52: {  	s23 =	simm.s32 @!p6 $0x0;
	p6 =	seq.s32 s18, $0x32;
	[sflag:s8] =	ssyncset.done $0x0  }
.Ltmp0:
0x53: {  	s18 =	simm.s32 @p6 $0x0;
	[sflag:s8] =	ssyncadd.s32 $0xFFFFE000;
	(pc) =	sbr.rel @p4 .LBB2_2-.Ltmp0, $4  }
0x54: {  	p6 =	sne.s32 s13, $0x1;
	p0 =	sne.s32 s12, s18;
	_ =	swait.ge [sflag:s8], $0x2000  }
0x55: {  	s28 =	simm.s32 $0x1;
	p3 =	por !p6, !p0;
	[sflag:s8] =	ssyncset.done $0x0  }
0x56: {  	s28 =	simm.s32 @!p5 $0x0;
	p3 =	por !p3, !p3;
	[sflag:s8] =	ssyncadd.s32 $0xFFFFE000  }
0x57: {  	s26 =	sand.u32 @p3 $0x1, s22;
	s24 =	sadd.s32 @p3 s5, s18;
	_ =	strace $0x9000004B  }
0x58: {  	_ =	strace @p5 $0x8000004C  }
0x59: {  	s18 =	sand.u32 @p5 $0x1FFFF000, s29;
	s16 =	rddreg [dreg:$0x2]  }
0x5a: {  	s20 =	sor.u32 @p5 $0x4, s20;
	s22 =	simm.s32 @p5 $0x0;
	s16 =	sadd.s32 @p5 s16, s18  }
0x5b: {  	[hbm4b:s16+s22] =	stream.linear.scatter @p5 [tilespmem:s19], [sflag:s20], $0x8000, $0x200038;
	[tilespmem:$0x10400] =	vst v63  }
0x5c: {  	_ =	strace @p5 $0x9000004C  }
0x5d: {  	s15 =	sor.u32 @!p2 $0x4, s15;
	_ =	strace @!p2 $0x8000004D  }
0x5e: {  	_ =	swait.ge @!p2 [sflag:s15], $0x8000  }
0x5f: {  	s18 =	simm.s32 @p3 $0x0;
	[sflag:s15] =	ssyncset.done @!p2 $0x0  }
0x60: {  	s16 =	sshll.u32 @p3 s24, $0x6;
	s19 =	sshll.u32 @p3 s26, $0x9;
	[sflag:s15] =	ssyncadd.s32 @!p2 $0xFFFF8000  }
0x61: {  	s24 =	sadd.s32 s28, s21;
	s16 =	sand.u32 @p3 $0x1FFFFFC0, s16;
	_ =	strace @!p2 $0x9000004D  }
0x62: {  	s20 =	sor.u32 @p3 $0x2, s26;
	s16 =	sadd.s32 @p3 s4, s16;
	_ =	strace @p3 $0x80000049  }
0x63: {  	[tilespmem:s19], [sflag:s20] =	stream.linear.gather @p3 [hbm4b:s16+s18], $0x200, $0x200038;
	[tilespmem:$0x10400] =	vst v63  }
0x64: {  	s25 =	sand.u32 $0x1, s24;
	_ =	strace @p3 $0x90000049  }
0x65: {  	s16 =	sor.u32 $0x2, s25;
	_ =	strace $0x8000004A  }
0x66: {  	_ =	swait.ge [sflag:s16], $0x200  }
0x67: {  	s17 =	sadd.s32 s28, s17;
	[sflag:s16] =	ssyncset.done $0x0  }
0x68: {  	s17 =	sand.u32 $0x1, s17;
	[sflag:s16] =	ssyncadd.s32 $0xFFFFFE00  }
0x69: {  	s26 =	sshll.u32 s17, $0xF;
	s15 =	sshll.u32 s24, $0x9;
	_ =	strace $0x9000004A  }
0x6a: {  	s15 =	sand.u32 $0x200, s15;
	s18 =	sor.u32 $0x400, s26;
	_ =	strace $0x8000004B  }
0x6b: {  	[tilespmem:s18], [sflag:$0x1] =	stream.indirect.gather [hbm4b:s3+s9], $0x40, s15, s9, $0x2000b8;
	[tilespmem:$0x10400] =	vst v63  }
0x6c: {  	s28 =	sor.u32 $0x2400, s26;
	s29 =	sor.u32 $0x80, s15  }
0x6d: {  	[tilespmem:s28], [sflag:$0x1] =	stream.indirect.gather [hbm4b:s3+s9], $0x40, s29, s9, $0x2000b8;
	[tilespmem:$0x10400] =	vst v63  }
0x6e: {  	s30 =	sor.u32 $0x4400, s26;
	s31 =	sor.u32 $0x100, s15  }
0x6f: {  	[tilespmem:s30], [sflag:$0x1] =	stream.indirect.gather [hbm4b:s3+s9], $0x40, s31, s9, $0x2000b8;
	[tilespmem:$0x10400] =	vst v63  }
0x70: {  	s16 =	sor.u32 $0x6400, s26;
	s15 =	sor.u32 $0x180, s15  }
0x71: {  	[tilespmem:s16], [sflag:$0x1] =	stream.indirect.gather [hbm4b:s3+s9], $0x40, s15, s9, $0x2000b8;
	[tilespmem:$0x10400] =	vst v63  }
0x72: {  	_ =	swait.ge [sflag:s8], $0x2000  }
0x73: {  	[sflag:s8] =	ssyncset.done $0x0  }
0x74: {  	[sflag:s8] =	ssyncadd.s32 $0xFFFFE000  }
0x75: {  	_ =	swait.ge [sflag:s8], $0x2000  }
0x76: {  	[sflag:s8] =	ssyncset.done $0x0  }
0x77: {  	[sflag:s8] =	ssyncadd.s32 $0xFFFFE000  }
0x78: {  	_ =	swait.ge [sflag:s8], $0x2000  }
0x79: {  	[sflag:s8] =	ssyncset.done $0x0  }
0x7a: {  	[sflag:s8] =	ssyncadd.s32 $0xFFFFE000  }
0x7b: {  	_ =	swait.ge [sflag:s8], $0x2000  }
0x7c: {  	[sflag:s8] =	ssyncset.done $0x0  }
0x7d: {  	p6 =	seq.s32 s13, $0x1;
	[sflag:s8] =	ssyncadd.s32 $0xFFFFE000  }
0x7e: {  	s12 =	sadd.s32 s5, s12;
	p0 =	por p6, p0;
	_ =	strace $0x9000004B  }
0x7f: {  	s12 =	sshll.u32 @p0 s12, $0xC;
	_ =	strace @p0 $0x8000004C  }
0x80: {  	s14 =	sadd.s32 s23, s14;
	s12 =	sand.u32 @p0 $0x1FFFF000, s12;
	s13 =	rddreg [dreg:$0x2]  }
0x81: {  	s15 =	sor.u32 @p0 $0x4, s17;
	s16 =	simm.s32 @p0 $0x0;
	s12 =	sadd.s32 @p0 s13, s12  }
0x82: {  	[hbm4b:s12+s16] =	stream.linear.scatter @p0 [tilespmem:s18], [sflag:s15], $0x8000, $0x200038;
	[tilespmem:$0x10400] =	vst v63  }
0x83: {  	s12 =	sand.u32 @!p1 $0x1, s14;
	p1 =	por p1, p1;
	_ =	strace @p0 $0x9000004C  }
0x84: {  	s12 =	sor.u32 @!p1 $0x4, s12;
	_ =	strace @!p1 $0x8000004D  }
0x85: {  	_ =	swait.ge @!p1 [sflag:s12], $0x8000  }
0x86: {  	[sflag:s12] =	ssyncset.done @!p1 $0x0  }
0x87: {  	s11 =	sadd.s32 $0x1, s11;
	[sflag:s12] =	ssyncadd.s32 @!p1 $0xFFFF8000  }
0x88: {  	p0 =	sne.s32 s11, s7;
	_ =	strace @!p1 $0x9000004D  }
.Ltmp1:
0x89: {  	_ =	strace $0x8000004E;
	(pc) =	sbr.rel @p0 .LBB2_1-.Ltmp1, $4  }
0x8a: {  	_ =	swait.ge [sflag:s10], $0x8000  }
0x8b: {  	[sflag:s10] =	ssyncset.done $0x0  }
0x8c: {  	[sflag:s10] =	ssyncadd.s32 $0xFFFF8000  }
0x8d: {  	_ =	strace $0x9000004E  }
0x8e: {  	_ =	sfence.sel $0x180000  }
0x8f: {  	[bflag:$0x0] =	sbarrier.arrive $0xFFFF  }
0x90: {  	p0 =	sne.s32 s2, $0x0;
	_ =	strace $0x90000047  }
0x91: {  	s0 =	sadd.s32 @!p0 $0x100000, s0;
	[bflag:$0x2] =	sbarrier.arrive $0xFFFF  }
0x92: {  	[sflag:s0] =	ssyncadd.tile.s32 @!p0 $0x1;
	_ =	shalt  }
.Lfunc_end2:
_tile_overlayer_lowered:
.L_overlay_start_2:
0x93: {  	(tag) =	ssettag $0x2  }
0x94: {  	s0 =	rddreg [dreg:$0x0];
	s2 =	stileid.u32  }
0x95: {  	s1 =	rddreg [dreg:$0x1];
	p0 =	sne.s32 s2, $0x0  }
0x96: {  	s3 =	rddreg [dreg:$0x2];
	[bflag:$0x3] =	sbarrier.arrive $0xFFFF;
	s2 =	simm.s32 @!p0 $0x1C02  }
0x97: {  	[timem:s3], [sflag:s2] =	dma.local @!p0 [hbm:s0], s1  }
0x98: {  	s0 =	simm.s32 @!p0 $0x2  }
0x99: {  	_ =	swait.ge @!p0 [sflag:s0], s1  }
0x9a: {  	s1 =	ssub.s32 @!p0 $0x0, s1;
	[sflag:s0] =	ssyncset.done @!p0 $0x0  }
0x9b: {  	[sflag:s0] =	ssyncadd.s32 @!p0 s1  }
0x9c: {  	[bflag:$0x3] =	sbarrier.arrive $0xFFFF  }
0x9d: {  	_ =	shalt  }

</sc_bundles>
